<compile_context>
chip_gen: v7x
topology: tpu7x:2x2x1
jax: 0.10.2.dev20260603
libtpu: 0.0.44.dev20260713+nightly
codegen_flags: <defaults>
</compile_context>

<pallas_src>
import functools

import jax
import jax.numpy as jnp
from jax import lax
from jax.experimental import pallas as pl
from jax.experimental.pallas import tpu as pltpu
from jax.experimental.pallas import tpu_sc as plsc

NUM_EXPERTS = 64
TOPK = 2
_NW = 32
_LANES = 16


@functools.cache
def _build_router(n):
    assert n % (_NW * 128) == 0
    tpw = n // _NW
    rows = tpw // 128
    groups = tpw // _LANES

    mesh = plsc.VectorSubcoreMesh(core_axis_name="c", subcore_axis_name="s")

    @functools.partial(
        pl.kernel,
        mesh=mesh,
        compiler_params=pltpu.CompilerParams(needs_layout_passes=False),
        out_type=[
            jax.ShapeDtypeStruct((n * NUM_EXPERTS,), jnp.float32),
            jax.ShapeDtypeStruct((n * (NUM_EXPERTS // 4),), jnp.int32),
        ],
        scratch_types=[
            pltpu.VMEM((rows, 128), jnp.int32),
            pltpu.VMEM((rows, 128), jnp.int32),
            pltpu.VMEM((rows, 128), jnp.int32),
            pltpu.VMEM((tpw,), jnp.int32),
            pltpu.VMEM((tpw,), jnp.int32),
            pltpu.VMEM((tpw * NUM_EXPERTS,), jnp.float32),
            pltpu.VMEM((tpw * (NUM_EXPERTS // 4),), jnp.int32),
            pltpu.SemaphoreType.DMA,
        ],
    )
    def router(ids_hbm, t2e_hbm, probs_hbm, mapw_hbm,
               ids_v, idx0_v, idx1_v, e0_v, e1_v, probs_v, mapw_v, sem):
        c = lax.axis_index("c")
        s = lax.axis_index("s")
        wid = s * 2 + c

        pltpu.sync_copy(ids_hbm.at[pl.ds(wid * rows, rows)], ids_v)

        for j in range(rows):
            def mkidx(k, carry, j=j):
                x = ids_v[j, pl.ds(k * 16, 16)]
                x2 = x * TOPK
                idx0_v[j, pl.ds(k * 16, 16)] = x2
                idx1_v[j, pl.ds(k * 16, 16)] = x2 + 1
                return carry
            lax.fori_loop(0, 8, mkidx, 0)

        copies = []
        for j in range(rows):
            copies.append(pltpu.async_copy(
                t2e_hbm.at[idx0_v.at[j]], e0_v.at[pl.ds(j * 128, 128)], sem))
            copies.append(pltpu.async_copy(
                t2e_hbm.at[idx1_v.at[j]], e1_v.at[pl.ds(j * 128, 128)], sem))

        zf = jnp.zeros((_LANES,), jnp.float32)
        zi = jnp.zeros((_LANES,), jnp.int32)

        def zero_probs(i, carry):
            for k in range(8):
                probs_v[pl.ds(i * 128 + k * 16, 16)] = zf
            return carry
        lax.fori_loop(0, tpw * NUM_EXPERTS // 128, zero_probs, 0)

        def zero_map(i, carry):
            for k in range(8):
                mapw_v[pl.ds(i * 128 + k * 16, 16)] = zi
            return carry
        lax.fori_loop(0, tpw * (NUM_EXPERTS // 4) // 128, zero_map, 0)

        for cp in copies:
            cp.wait()

        iota = lax.iota(jnp.int32, _LANES)
        half = jnp.full((_LANES,), 0.5, jnp.float32)
        one = jnp.full((_LANES,), 1, jnp.int32)
        zero = jnp.zeros((_LANES,), jnp.int32)

        def scatter(g, carry):
            t = g * _LANES + iota
            pos = t * NUM_EXPERTS
            wbase = t * (NUM_EXPERTS // 4)
            for ev in (e0_v, e1_v):
                e = ev[pl.ds(g * _LANES, _LANES)]
                plsc.store_scatter(probs_v, [pos + e], half)
                w = wbase + lax.shift_right_logical(e, 2)
                byte = lax.shift_left(one, lax.shift_left(e & 3, 3))
                plsc.addupdate_scatter(mapw_v, [w], byte)
            return carry
        lax.fori_loop(0, groups, scatter, 0)

        pltpu.sync_copy(
            probs_v,
            probs_hbm.at[pl.ds(wid * tpw * NUM_EXPERTS, tpw * NUM_EXPERTS)])
        pltpu.sync_copy(
            mapw_v,
            mapw_hbm.at[pl.ds(wid * tpw * (NUM_EXPERTS // 4),
                              tpw * (NUM_EXPERTS // 4))])

    return router


def kernel(token_ids, tid2eid):
    b, s = token_ids.shape
    n = b * s
    ids2d = token_ids.reshape(n // 128, 128)
    t2e_flat = tid2eid.reshape(-1)
    probs_flat, mapw = _build_router(n)(ids2d, t2e_flat)
    probs = probs_flat.reshape(n, NUM_EXPERTS)
    map_u8 = jax.lax.bitcast_convert_type(mapw, jnp.uint8)
    routing_map = map_u8.reshape(n, NUM_EXPERTS) != 0
    return probs, routing_map

# --- scband reference (transcript-rebuilt; emitter-appended) ---
"""Pipeline reference for scband-hash-router-9637906612577 (READ-ONLY COPY).

The authoritative reference and input builder live on the scoring server;
editing this copy changes nothing except your own understanding.
"""

import jax, jax.numpy as jnp
import numpy as np

NUM_EXPERTS = 64
TOPK = 2
VOCAB_SIZE = 100000
BATCH = 4
SEQ = 8192


def _build_tid2eid(seed=0):
    # Deterministic hash table: for each token id, a fixed set of TOPK distinct expert ids.
    # (Mirrors torch randperm-per-row construction; exact permutation values differ by RNG,
    #  but the structure -- distinct expert ids per row, uniform -- is faithful.)
    rng = np.random.default_rng(seed)
    scores = rng.random((VOCAB_SIZE, NUM_EXPERTS))
    tid2eid = np.argsort(scores, axis=1)[:, :TOPK].astype(np.int32)
    return jnp.asarray(tid2eid)


def setup_inputs(seed: int = 0) -> dict:
    key = jax.random.key(seed)
    # int32 used on CPU jax (x64 disabled by default); values < VOCAB_SIZE fit easily.
    token_ids = jax.random.randint(key, (BATCH, SEQ), 0, VOCAB_SIZE, dtype=jnp.int32)
    tid2eid = _build_tid2eid(0)
    return {"token_ids": token_ids, "tid2eid": tid2eid}


def reference(token_ids, tid2eid):
    flat_ids = token_ids.reshape(-1)                      # [N]
    eids = jnp.take(tid2eid, flat_ids, axis=0)            # gather: [N, TOPK]
    n = flat_ids.shape[0]
    rows = jnp.arange(n)[:, None]                         # [N, 1]
    routing_map = jnp.zeros((n, NUM_EXPERTS), dtype=bool).at[rows, eids].set(True)
    weight = 1.0 / float(TOPK)
    probs = jnp.zeros((n, NUM_EXPERTS), dtype=jnp.float32).at[rows, eids].set(weight)
    return probs, routing_map

if __name__ == "__main__":
    import jax
    _d = setup_inputs()
    print(jax.jit(kernel)(*tuple(_d.values())))

</pallas_src>

<mosaic_0001>
#map = affine_map<(d0, d1) -> (0, 0)>
#map1 = affine_map<(d0, d1) -> (0)>
module attributes {stable_mosaic.version = 14 : i64} {
  func.func @router(%arg0: i32, %arg1: i32, %arg2: memref<256x128xi32, #tpu.memory_space<hbm>>, %arg3: memref<200000xi32, #tpu.memory_space<hbm>>, %arg4: memref<2097152xf32, #tpu.memory_space<hbm>>, %arg5: memref<524288xi32, #tpu.memory_space<hbm>>, %arg6: memref<8x128xi32, #tpu.memory_space<vmem>>, %arg7: memref<8x128xi32, #tpu.memory_space<vmem>>, %arg8: memref<8x128xi32, #tpu.memory_space<vmem>>, %arg9: memref<1024xi32, #tpu.memory_space<vmem>>, %arg10: memref<1024xi32, #tpu.memory_space<vmem>>, %arg11: memref<65536xf32, #tpu.memory_space<vmem>>, %arg12: memref<16384xi32, #tpu.memory_space<vmem>>, %arg13: memref<!tpu.dma_semaphore, #tpu.memory_space<semaphore_mem>>) attributes {dimension_semantics = [#tpu.dimension_semantics<core_parallel>, #tpu.dimension_semantics<subcore_parallel>], iteration_bounds = array<i64: 2, 16>, scalar_prefetch = 0 : i64, scratch_operands = 8 : i64, tpu.core_type = #tpu.core_type<sc_vector_subcore>, window_params = [{transform_indices = #map}, {transform_indices = #map1}, {transform_indices = #map1}, {transform_indices = #map1}]} {
    %mul3A = arith.constant 2 : i32
    %mul3A_0 = arith.muli %arg1, %mul3A : i32
    %add3A = arith.addi %mul3A_0, %arg0 : i32
    %mul3A_1 = arith.constant 8 : i32
    %mul3A_2 = arith.muli %add3A, %mul3A_1 : i32
    "tpu.region"() ({
      %run_scoped3A = tpu.sem_alloc : memref<!tpu.dma_semaphore, #tpu.memory_space<semaphore_mem>>
      %dma_start3A_339 = arith.constant 0 : i32
      %dma_start3A_340 = tpu.memref_slice %arg2[%mul3A_2, %dma_start3A_339] : memref<256x128xi32, #tpu.memory_space<hbm>> -> memref<8x128xi32, #tpu.memory_space<hbm>>
      %dma_start3A_341 = arith.constant 0 : i32
      %dma_start3A_342 = tpu.memref_slice %arg2[%mul3A_2, %dma_start3A_341] : memref<256x128xi32, #tpu.memory_space<hbm>> -> memref<8x128xi32, #tpu.memory_space<hbm>>
      tpu.enqueue_dma source(%dma_start3A_342 : memref<8x128xi32, #tpu.memory_space<hbm>>) target(%arg6 : memref<8x128xi32, #tpu.memory_space<vmem>>) target_semaphore(%run_scoped3A : memref<!tpu.dma_semaphore, #tpu.memory_space<semaphore_mem>>)
      %dma_wait3A_343 = arith.constant 0 : i32
      %dma_wait3A_344 = tpu.memref_slice %arg2[%mul3A_2, %dma_wait3A_343] : memref<256x128xi32, #tpu.memory_space<hbm>> -> memref<8x128xi32, #tpu.memory_space<hbm>>
      %dma_wait3A_345 = arith.constant 0 : i32
      %dma_wait3A_346 = tpu.memref_slice %arg2[%mul3A_2, %dma_wait3A_345] : memref<256x128xi32, #tpu.memory_space<hbm>> -> memref<8x128xi32, #tpu.memory_space<hbm>>
      tpu.wait_dma2 semaphore(%run_scoped3A : memref<!tpu.dma_semaphore, #tpu.memory_space<semaphore_mem>>) src(%dma_wait3A_346 : memref<8x128xi32, #tpu.memory_space<hbm>>) dst(%arg6 : memref<8x128xi32, #tpu.memory_space<vmem>>)
      tpu.yield
    }) : () -> ()
    %scan3A = arith.constant 0 : i32
    %scan3A_3 = arith.constant 0 : i32
    %scan3A_4 = arith.constant 8 : i32
    %scan3A_5 = arith.addi %scan3A_3, %scan3A_4 : i32
    %scan3A_6 = arith.constant 1 : i32
    scf.for %scan3A_339 = %scan3A_3 to %scan3A_5 step %scan3A_6  : i32 {
      %mul3A_340 = arith.constant 16 : i32
      %mul3A_341 = arith.muli %scan3A_339, %mul3A_340 : i32
      %get3A = arith.constant 0 : i32
      %get3A_342 = arith.index_cast %get3A : i32 to index
      %get3A_343 = arith.index_cast %mul3A_341 : i32 to index
      %get3A_344 = tpu.vector_load %arg6[%get3A_342, %get3A_343] {strides = array<i32>} : memref<8x128xi32, #tpu.memory_space<vmem>>, vector<16xi32>,
      %mul3A_345 = arith.constant 2 : i32
      %mul3A_346 = vector.broadcast %mul3A_345 : i32 to vector<16xi32>
      %mul3A_347 = arith.muli %get3A_344, %mul3A_346 : vector<16xi32>
      %mul3A_348 = arith.constant 16 : i32
      %mul3A_349 = arith.muli %scan3A_339, %mul3A_348 : i32
      %swap3A = arith.constant 0 : i32
      %swap3A_350 = arith.index_cast %swap3A : i32 to index
      %swap3A_351 = arith.index_cast %mul3A_349 : i32 to index
      %swap3A_352 = tpu.vector_load %arg7[%swap3A_350, %swap3A_351] {strides = array<i32>} : memref<8x128xi32, #tpu.memory_space<vmem>>, vector<16xi32>,
      tpu.vector_store %arg7[%swap3A_350, %swap3A_351], %mul3A_347 {strides = array<i32>} : memref<8x128xi32, #tpu.memory_space<vmem>>, vector<16xi32>,
      %add3A_353 = arith.constant 1 : i32
      %add3A_354 = vector.broadcast %add3A_353 : i32 to vector<16xi32>
      %add3A_355 = arith.addi %mul3A_347, %add3A_354 : vector<16xi32>
      %mul3A_356 = arith.constant 16 : i32
      %mul3A_357 = arith.muli %scan3A_339, %mul3A_356 : i32
      %swap3A_358 = arith.constant 0 : i32
      %swap3A_359 = arith.index_cast %swap3A_358 : i32 to index
      %swap3A_360 = arith.index_cast %mul3A_357 : i32 to index
      %swap3A_361 = tpu.vector_load %arg8[%swap3A_359, %swap3A_360] {strides = array<i32>} : memref<8x128xi32, #tpu.memory_space<vmem>>, vector<16xi32>,
      tpu.vector_store %arg8[%swap3A_359, %swap3A_360], %add3A_355 {strides = array<i32>} : memref<8x128xi32, #tpu.memory_space<vmem>>, vector<16xi32>,
    }
    %scan3A_7 = arith.constant 8 : i32
    %scan3A_8 = arith.constant 0 : i32
    %scan3A_9 = arith.constant 0 : i32
    %scan3A_10 = arith.constant 8 : i32
    %scan3A_11 = arith.addi %scan3A_9, %scan3A_10 : i32
    %scan3A_12 = arith.constant 1 : i32
    scf.for %scan3A_339 = %scan3A_9 to %scan3A_11 step %scan3A_12  : i32 {
      %mul3A_340 = arith.constant 16 : i32
      %mul3A_341 = arith.muli %scan3A_339, %mul3A_340 : i32
      %get3A = arith.constant 1 : i32
      %get3A_342 = arith.index_cast %get3A : i32 to index
      %get3A_343 = arith.index_cast %mul3A_341 : i32 to index
      %get3A_344 = tpu.vector_load %arg6[%get3A_342, %get3A_343] {strides = array<i32>} : memref<8x128xi32, #tpu.memory_space<vmem>>, vector<16xi32>,
      %mul3A_345 = arith.constant 2 : i32
      %mul3A_346 = vector.broadcast %mul3A_345 : i32 to vector<16xi32>
      %mul3A_347 = arith.muli %get3A_344, %mul3A_346 : vector<16xi32>
      %mul3A_348 = arith.constant 16 : i32
      %mul3A_349 = arith.muli %scan3A_339, %mul3A_348 : i32
      %swap3A = arith.constant 1 : i32
      %swap3A_350 = arith.index_cast %swap3A : i32 to index
      %swap3A_351 = arith.index_cast %mul3A_349 : i32 to index
      %swap3A_352 = tpu.vector_load %arg7[%swap3A_350, %swap3A_351] {strides = array<i32>} : memref<8x128xi32, #tpu.memory_space<vmem>>, vector<16xi32>,
      tpu.vector_store %arg7[%swap3A_350, %swap3A_351], %mul3A_347 {strides = array<i32>} : memref<8x128xi32, #tpu.memory_space<vmem>>, vector<16xi32>,
      %add3A_353 = arith.constant 1 : i32
      %add3A_354 = vector.broadcast %add3A_353 : i32 to vector<16xi32>
      %add3A_355 = arith.addi %mul3A_347, %add3A_354 : vector<16xi32>
      %mul3A_356 = arith.constant 16 : i32
      %mul3A_357 = arith.muli %scan3A_339, %mul3A_356 : i32
      %swap3A_358 = arith.constant 1 : i32
      %swap3A_359 = arith.index_cast %swap3A_358 : i32 to index
      %swap3A_360 = arith.index_cast %mul3A_357 : i32 to index
      %swap3A_361 = tpu.vector_load %arg8[%swap3A_359, %swap3A_360] {strides = array<i32>} : memref<8x128xi32, #tpu.memory_space<vmem>>, vector<16xi32>,
      tpu.vector_store %arg8[%swap3A_359, %swap3A_360], %add3A_355 {strides = array<i32>} : memref<8x128xi32, #tpu.memory_space<vmem>>, vector<16xi32>,
    }
    %scan3A_13 = arith.constant 8 : i32
    %scan3A_14 = arith.constant 0 : i32
    %scan3A_15 = arith.constant 0 : i32
    %scan3A_16 = arith.constant 8 : i32
    %scan3A_17 = arith.addi %scan3A_15, %scan3A_16 : i32
    %scan3A_18 = arith.constant 1 : i32
    scf.for %scan3A_339 = %scan3A_15 to %scan3A_17 step %scan3A_18  : i32 {
      %mul3A_340 = arith.constant 16 : i32
      %mul3A_341 = arith.muli %scan3A_339, %mul3A_340 : i32
      %get3A = arith.constant 2 : i32
      %get3A_342 = arith.index_cast %get3A : i32 to index
      %get3A_343 = arith.index_cast %mul3A_341 : i32 to index
      %get3A_344 = tpu.vector_load %arg6[%get3A_342, %get3A_343] {strides = array<i32>} : memref<8x128xi32, #tpu.memory_space<vmem>>, vector<16xi32>,
      %mul3A_345 = arith.constant 2 : i32
      %mul3A_346 = vector.broadcast %mul3A_345 : i32 to vector<16xi32>
      %mul3A_347 = arith.muli %get3A_344, %mul3A_346 : vector<16xi32>
      %mul3A_348 = arith.constant 16 : i32
      %mul3A_349 = arith.muli %scan3A_339, %mul3A_348 : i32
      %swap3A = arith.constant 2 : i32
      %swap3A_350 = arith.index_cast %swap3A : i32 to index
      %swap3A_351 = arith.index_cast %mul3A_349 : i32 to index
      %swap3A_352 = tpu.vector_load %arg7[%swap3A_350, %swap3A_351] {strides = array<i32>} : memref<8x128xi32, #tpu.memory_space<vmem>>, vector<16xi32>,
      tpu.vector_store %arg7[%swap3A_350, %swap3A_351], %mul3A_347 {strides = array<i32>} : memref<8x128xi32, #tpu.memory_space<vmem>>, vector<16xi32>,
      %add3A_353 = arith.constant 1 : i32
      %add3A_354 = vector.broadcast %add3A_353 : i32 to vector<16xi32>
      %add3A_355 = arith.addi %mul3A_347, %add3A_354 : vector<16xi32>
      %mul3A_356 = arith.constant 16 : i32
      %mul3A_357 = arith.muli %scan3A_339, %mul3A_356 : i32
      %swap3A_358 = arith.constant 2 : i32
      %swap3A_359 = arith.index_cast %swap3A_358 : i32 to index
      %swap3A_360 = arith.index_cast %mul3A_357 : i32 to index
      %swap3A_361 = tpu.vector_load %arg8[%swap3A_359, %swap3A_360] {strides = array<i32>} : memref<8x128xi32, #tpu.memory_space<vmem>>, vector<16xi32>,
      tpu.vector_store %arg8[%swap3A_359, %swap3A_360], %add3A_355 {strides = array<i32>} : memref<8x128xi32, #tpu.memory_space<vmem>>, vector<16xi32>,
    }
    %scan3A_19 = arith.constant 8 : i32
    %scan3A_20 = arith.constant 0 : i32
    %scan3A_21 = arith.constant 0 : i32
    %scan3A_22 = arith.constant 8 : i32
    %scan3A_23 = arith.addi %scan3A_21, %scan3A_22 : i32
    %scan3A_24 = arith.constant 1 : i32
    scf.for %scan3A_339 = %scan3A_21 to %scan3A_23 step %scan3A_24  : i32 {
      %mul3A_340 = arith.constant 16 : i32
      %mul3A_341 = arith.muli %scan3A_339, %mul3A_340 : i32
      %get3A = arith.constant 3 : i32
      %get3A_342 = arith.index_cast %get3A : i32 to index
      %get3A_343 = arith.index_cast %mul3A_341 : i32 to index
      %get3A_344 = tpu.vector_load %arg6[%get3A_342, %get3A_343] {strides = array<i32>} : memref<8x128xi32, #tpu.memory_space<vmem>>, vector<16xi32>,
      %mul3A_345 = arith.constant 2 : i32
      %mul3A_346 = vector.broadcast %mul3A_345 : i32 to vector<16xi32>
      %mul3A_347 = arith.muli %get3A_344, %mul3A_346 : vector<16xi32>
      %mul3A_348 = arith.constant 16 : i32
      %mul3A_349 = arith.muli %scan3A_339, %mul3A_348 : i32
      %swap3A = arith.constant 3 : i32
      %swap3A_350 = arith.index_cast %swap3A : i32 to index
      %swap3A_351 = arith.index_cast %mul3A_349 : i32 to index
      %swap3A_352 = tpu.vector_load %arg7[%swap3A_350, %swap3A_351] {strides = array<i32>} : memref<8x128xi32, #tpu.memory_space<vmem>>, vector<16xi32>,
      tpu.vector_store %arg7[%swap3A_350, %swap3A_351], %mul3A_347 {strides = array<i32>} : memref<8x128xi32, #tpu.memory_space<vmem>>, vector<16xi32>,
      %add3A_353 = arith.constant 1 : i32
      %add3A_354 = vector.broadcast %add3A_353 : i32 to vector<16xi32>
      %add3A_355 = arith.addi %mul3A_347, %add3A_354 : vector<16xi32>
      %mul3A_356 = arith.constant 16 : i32
      %mul3A_357 = arith.muli %scan3A_339, %mul3A_356 : i32
      %swap3A_358 = arith.constant 3 : i32
      %swap3A_359 = arith.index_cast %swap3A_358 : i32 to index
      %swap3A_360 = arith.index_cast %mul3A_357 : i32 to index
      %swap3A_361 = tpu.vector_load %arg8[%swap3A_359, %swap3A_360] {strides = array<i32>} : memref<8x128xi32, #tpu.memory_space<vmem>>, vector<16xi32>,
      tpu.vector_store %arg8[%swap3A_359, %swap3A_360], %add3A_355 {strides = array<i32>} : memref<8x128xi32, #tpu.memory_space<vmem>>, vector<16xi32>,
    }
    %scan3A_25 = arith.constant 8 : i32
    %scan3A_26 = arith.constant 0 : i32
    %scan3A_27 = arith.constant 0 : i32
    %scan3A_28 = arith.constant 8 : i32
    %scan3A_29 = arith.addi %scan3A_27, %scan3A_28 : i32
    %scan3A_30 = arith.constant 1 : i32
    scf.for %scan3A_339 = %scan3A_27 to %scan3A_29 step %scan3A_30  : i32 {
      %mul3A_340 = arith.constant 16 : i32
      %mul3A_341 = arith.muli %scan3A_339, %mul3A_340 : i32
      %get3A = arith.constant 4 : i32
      %get3A_342 = arith.index_cast %get3A : i32 to index
      %get3A_343 = arith.index_cast %mul3A_341 : i32 to index
      %get3A_344 = tpu.vector_load %arg6[%get3A_342, %get3A_343] {strides = array<i32>} : memref<8x128xi32, #tpu.memory_space<vmem>>, vector<16xi32>,
      %mul3A_345 = arith.constant 2 : i32
      %mul3A_346 = vector.broadcast %mul3A_345 : i32 to vector<16xi32>
      %mul3A_347 = arith.muli %get3A_344, %mul3A_346 : vector<16xi32>
      %mul3A_348 = arith.constant 16 : i32
      %mul3A_349 = arith.muli %scan3A_339, %mul3A_348 : i32
      %swap3A = arith.constant 4 : i32
      %swap3A_350 = arith.index_cast %swap3A : i32 to index
      %swap3A_351 = arith.index_cast %mul3A_349 : i32 to index
      %swap3A_352 = tpu.vector_load %arg7[%swap3A_350, %swap3A_351] {strides = array<i32>} : memref<8x128xi32, #tpu.memory_space<vmem>>, vector<16xi32>,
      tpu.vector_store %arg7[%swap3A_350, %swap3A_351], %mul3A_347 {strides = array<i32>} : memref<8x128xi32, #tpu.memory_space<vmem>>, vector<16xi32>,
      %add3A_353 = arith.constant 1 : i32
      %add3A_354 = vector.broadcast %add3A_353 : i32 to vector<16xi32>
      %add3A_355 = arith.addi %mul3A_347, %add3A_354 : vector<16xi32>
      %mul3A_356 = arith.constant 16 : i32
      %mul3A_357 = arith.muli %scan3A_339, %mul3A_356 : i32
      %swap3A_358 = arith.constant 4 : i32
      %swap3A_359 = arith.index_cast %swap3A_358 : i32 to index
      %swap3A_360 = arith.index_cast %mul3A_357 : i32 to index
      %swap3A_361 = tpu.vector_load %arg8[%swap3A_359, %swap3A_360] {strides = array<i32>} : memref<8x128xi32, #tpu.memory_space<vmem>>, vector<16xi32>,
      tpu.vector_store %arg8[%swap3A_359, %swap3A_360], %add3A_355 {strides = array<i32>} : memref<8x128xi32, #tpu.memory_space<vmem>>, vector<16xi32>,
    }
    %scan3A_31 = arith.constant 8 : i32
    %scan3A_32 = arith.constant 0 : i32
    %scan3A_33 = arith.constant 0 : i32
    %scan3A_34 = arith.constant 8 : i32
    %scan3A_35 = arith.addi %scan3A_33, %scan3A_34 : i32
    %scan3A_36 = arith.constant 1 : i32
    scf.for %scan3A_339 = %scan3A_33 to %scan3A_35 step %scan3A_36  : i32 {
      %mul3A_340 = arith.constant 16 : i32
      %mul3A_341 = arith.muli %scan3A_339, %mul3A_340 : i32
      %get3A = arith.constant 5 : i32
      %get3A_342 = arith.index_cast %get3A : i32 to index
      %get3A_343 = arith.index_cast %mul3A_341 : i32 to index
      %get3A_344 = tpu.vector_load %arg6[%get3A_342, %get3A_343] {strides = array<i32>} : memref<8x128xi32, #tpu.memory_space<vmem>>, vector<16xi32>,
      %mul3A_345 = arith.constant 2 : i32
      %mul3A_346 = vector.broadcast %mul3A_345 : i32 to vector<16xi32>
      %mul3A_347 = arith.muli %get3A_344, %mul3A_346 : vector<16xi32>
      %mul3A_348 = arith.constant 16 : i32
      %mul3A_349 = arith.muli %scan3A_339, %mul3A_348 : i32
      %swap3A = arith.constant 5 : i32
      %swap3A_350 = arith.index_cast %swap3A : i32 to index
      %swap3A_351 = arith.index_cast %mul3A_349 : i32 to index
      %swap3A_352 = tpu.vector_load %arg7[%swap3A_350, %swap3A_351] {strides = array<i32>} : memref<8x128xi32, #tpu.memory_space<vmem>>, vector<16xi32>,
      tpu.vector_store %arg7[%swap3A_350, %swap3A_351], %mul3A_347 {strides = array<i32>} : memref<8x128xi32, #tpu.memory_space<vmem>>, vector<16xi32>,
      %add3A_353 = arith.constant 1 : i32
      %add3A_354 = vector.broadcast %add3A_353 : i32 to vector<16xi32>
      %add3A_355 = arith.addi %mul3A_347, %add3A_354 : vector<16xi32>
      %mul3A_356 = arith.constant 16 : i32
      %mul3A_357 = arith.muli %scan3A_339, %mul3A_356 : i32
      %swap3A_358 = arith.constant 5 : i32
      %swap3A_359 = arith.index_cast %swap3A_358 : i32 to index
      %swap3A_360 = arith.index_cast %mul3A_357 : i32 to index
      %swap3A_361 = tpu.vector_load %arg8[%swap3A_359, %swap3A_360] {strides = array<i32>} : memref<8x128xi32, #tpu.memory_space<vmem>>, vector<16xi32>,
      tpu.vector_store %arg8[%swap3A_359, %swap3A_360], %add3A_355 {strides = array<i32>} : memref<8x128xi32, #tpu.memory_space<vmem>>, vector<16xi32>,
    }
    %scan3A_37 = arith.constant 8 : i32
    %scan3A_38 = arith.constant 0 : i32
    %scan3A_39 = arith.constant 0 : i32
    %scan3A_40 = arith.constant 8 : i32
    %scan3A_41 = arith.addi %scan3A_39, %scan3A_40 : i32
    %scan3A_42 = arith.constant 1 : i32
    scf.for %scan3A_339 = %scan3A_39 to %scan3A_41 step %scan3A_42  : i32 {
      %mul3A_340 = arith.constant 16 : i32
      %mul3A_341 = arith.muli %scan3A_339, %mul3A_340 : i32
      %get3A = arith.constant 6 : i32
      %get3A_342 = arith.index_cast %get3A : i32 to index
      %get3A_343 = arith.index_cast %mul3A_341 : i32 to index
      %get3A_344 = tpu.vector_load %arg6[%get3A_342, %get3A_343] {strides = array<i32>} : memref<8x128xi32, #tpu.memory_space<vmem>>, vector<16xi32>,
      %mul3A_345 = arith.constant 2 : i32
      %mul3A_346 = vector.broadcast %mul3A_345 : i32 to vector<16xi32>
      %mul3A_347 = arith.muli %get3A_344, %mul3A_346 : vector<16xi32>
      %mul3A_348 = arith.constant 16 : i32
      %mul3A_349 = arith.muli %scan3A_339, %mul3A_348 : i32
      %swap3A = arith.constant 6 : i32
      %swap3A_350 = arith.index_cast %swap3A : i32 to index
      %swap3A_351 = arith.index_cast %mul3A_349 : i32 to index
      %swap3A_352 = tpu.vector_load %arg7[%swap3A_350, %swap3A_351] {strides = array<i32>} : memref<8x128xi32, #tpu.memory_space<vmem>>, vector<16xi32>,
      tpu.vector_store %arg7[%swap3A_350, %swap3A_351], %mul3A_347 {strides = array<i32>} : memref<8x128xi32, #tpu.memory_space<vmem>>, vector<16xi32>,
      %add3A_353 = arith.constant 1 : i32
      %add3A_354 = vector.broadcast %add3A_353 : i32 to vector<16xi32>
      %add3A_355 = arith.addi %mul3A_347, %add3A_354 : vector<16xi32>
      %mul3A_356 = arith.constant 16 : i32
      %mul3A_357 = arith.muli %scan3A_339, %mul3A_356 : i32
      %swap3A_358 = arith.constant 6 : i32
      %swap3A_359 = arith.index_cast %swap3A_358 : i32 to index
      %swap3A_360 = arith.index_cast %mul3A_357 : i32 to index
      %swap3A_361 = tpu.vector_load %arg8[%swap3A_359, %swap3A_360] {strides = array<i32>} : memref<8x128xi32, #tpu.memory_space<vmem>>, vector<16xi32>,
      tpu.vector_store %arg8[%swap3A_359, %swap3A_360], %add3A_355 {strides = array<i32>} : memref<8x128xi32, #tpu.memory_space<vmem>>, vector<16xi32>,
    }
    %scan3A_43 = arith.constant 8 : i32
    %scan3A_44 = arith.constant 0 : i32
    %scan3A_45 = arith.constant 0 : i32
    %scan3A_46 = arith.constant 8 : i32
    %scan3A_47 = arith.addi %scan3A_45, %scan3A_46 : i32
    %scan3A_48 = arith.constant 1 : i32
    scf.for %scan3A_339 = %scan3A_45 to %scan3A_47 step %scan3A_48  : i32 {
      %mul3A_340 = arith.constant 16 : i32
      %mul3A_341 = arith.muli %scan3A_339, %mul3A_340 : i32
      %get3A = arith.constant 7 : i32
      %get3A_342 = arith.index_cast %get3A : i32 to index
      %get3A_343 = arith.index_cast %mul3A_341 : i32 to index
      %get3A_344 = tpu.vector_load %arg6[%get3A_342, %get3A_343] {strides = array<i32>} : memref<8x128xi32, #tpu.memory_space<vmem>>, vector<16xi32>,
      %mul3A_345 = arith.constant 2 : i32
      %mul3A_346 = vector.broadcast %mul3A_345 : i32 to vector<16xi32>
      %mul3A_347 = arith.muli %get3A_344, %mul3A_346 : vector<16xi32>
      %mul3A_348 = arith.constant 16 : i32
      %mul3A_349 = arith.muli %scan3A_339, %mul3A_348 : i32
      %swap3A = arith.constant 7 : i32
      %swap3A_350 = arith.index_cast %swap3A : i32 to index
      %swap3A_351 = arith.index_cast %mul3A_349 : i32 to index
      %swap3A_352 = tpu.vector_load %arg7[%swap3A_350, %swap3A_351] {strides = array<i32>} : memref<8x128xi32, #tpu.memory_space<vmem>>, vector<16xi32>,
      tpu.vector_store %arg7[%swap3A_350, %swap3A_351], %mul3A_347 {strides = array<i32>} : memref<8x128xi32, #tpu.memory_space<vmem>>, vector<16xi32>,
      %add3A_353 = arith.constant 1 : i32
      %add3A_354 = vector.broadcast %add3A_353 : i32 to vector<16xi32>
      %add3A_355 = arith.addi %mul3A_347, %add3A_354 : vector<16xi32>
      %mul3A_356 = arith.constant 16 : i32
      %mul3A_357 = arith.muli %scan3A_339, %mul3A_356 : i32
      %swap3A_358 = arith.constant 7 : i32
      %swap3A_359 = arith.index_cast %swap3A_358 : i32 to index
      %swap3A_360 = arith.index_cast %mul3A_357 : i32 to index
      %swap3A_361 = tpu.vector_load %arg8[%swap3A_359, %swap3A_360] {strides = array<i32>} : memref<8x128xi32, #tpu.memory_space<vmem>>, vector<16xi32>,
      tpu.vector_store %arg8[%swap3A_359, %swap3A_360], %add3A_355 {strides = array<i32>} : memref<8x128xi32, #tpu.memory_space<vmem>>, vector<16xi32>,
    }
    %scan3A_49 = arith.constant 8 : i32
    %dma_start3A = arith.constant 0 : i32
    %dma_start3A_50 = arith.constant 0 : i32
    %dma_start3A_51 = tpu.memref_slice %arg9[%dma_start3A_50] : memref<1024xi32, #tpu.memory_space<vmem>> -> memref<128xi32, #tpu.memory_space<vmem>>
    %dma_start3A_52 = arith.constant 0 : i32
    %dma_start3A_53 = tpu.memref_slice %arg7[%dma_start3A, %dma_start3A_52] : memref<8x128xi32, #tpu.memory_space<vmem>> -> memref<1x128xi32, #tpu.memory_space<vmem>>
    %dma_start3A_54 = tpu.memref_squeeze %dma_start3A_53 : memref<1x128xi32, #tpu.memory_space<vmem>> -> memref<128xi32, #tpu.memory_space<vmem>>
    %dma_start3A_55 = arith.constant 0 : i32
    %dma_start3A_56 = tpu.memref_slice %arg3[%dma_start3A_55] : memref<200000xi32, #tpu.memory_space<hbm>> -> memref<200000xi32, #tpu.memory_space<hbm>>
    tpu.enqueue_indirect_dma source(%dma_start3A_56 : memref<200000xi32, #tpu.memory_space<hbm>>) target(%dma_start3A_51 : memref<128xi32, #tpu.memory_space<vmem>>) offsets(%dma_start3A_54 : memref<128xi32, #tpu.memory_space<vmem>>) semaphore(%arg13 : memref<!tpu.dma_semaphore, #tpu.memory_space<semaphore_mem>>)
    %dma_start3A_57 = arith.constant 0 : i32
    %dma_start3A_58 = arith.constant 0 : i32
    %dma_start3A_59 = tpu.memref_slice %arg10[%dma_start3A_58] : memref<1024xi32, #tpu.memory_space<vmem>> -> memref<128xi32, #tpu.memory_space<vmem>>
    %dma_start3A_60 = arith.constant 0 : i32
    %dma_start3A_61 = tpu.memref_slice %arg8[%dma_start3A_57, %dma_start3A_60] : memref<8x128xi32, #tpu.memory_space<vmem>> -> memref<1x128xi32, #tpu.memory_space<vmem>>
    %dma_start3A_62 = tpu.memref_squeeze %dma_start3A_61 : memref<1x128xi32, #tpu.memory_space<vmem>> -> memref<128xi32, #tpu.memory_space<vmem>>
    %dma_start3A_63 = arith.constant 0 : i32
    %dma_start3A_64 = tpu.memref_slice %arg3[%dma_start3A_63] : memref<200000xi32, #tpu.memory_space<hbm>> -> memref<200000xi32, #tpu.memory_space<hbm>>
    tpu.enqueue_indirect_dma source(%dma_start3A_64 : memref<200000xi32, #tpu.memory_space<hbm>>) target(%dma_start3A_59 : memref<128xi32, #tpu.memory_space<vmem>>) offsets(%dma_start3A_62 : memref<128xi32, #tpu.memory_space<vmem>>) semaphore(%arg13 : memref<!tpu.dma_semaphore, #tpu.memory_space<semaphore_mem>>)
    %dma_start3A_65 = arith.constant 1 : i32
    %dma_start3A_66 = arith.constant 128 : i32
    %dma_start3A_67 = tpu.memref_slice %arg9[%dma_start3A_66] : memref<1024xi32, #tpu.memory_space<vmem>> -> memref<128xi32, #tpu.memory_space<vmem>>
    %dma_start3A_68 = arith.constant 0 : i32
    %dma_start3A_69 = tpu.memref_slice %arg7[%dma_start3A_65, %dma_start3A_68] : memref<8x128xi32, #tpu.memory_space<vmem>> -> memref<1x128xi32, #tpu.memory_space<vmem>>
    %dma_start3A_70 = tpu.memref_squeeze %dma_start3A_69 : memref<1x128xi32, #tpu.memory_space<vmem>> -> memref<128xi32, #tpu.memory_space<vmem>>
    %dma_start3A_71 = arith.constant 0 : i32
    %dma_start3A_72 = tpu.memref_slice %arg3[%dma_start3A_71] : memref<200000xi32, #tpu.memory_space<hbm>> -> memref<200000xi32, #tpu.memory_space<hbm>>
    tpu.enqueue_indirect_dma source(%dma_start3A_72 : memref<200000xi32, #tpu.memory_space<hbm>>) target(%dma_start3A_67 : memref<128xi32, #tpu.memory_space<vmem>>) offsets(%dma_start3A_70 : memref<128xi32, #tpu.memory_space<vmem>>) semaphore(%arg13 : memref<!tpu.dma_semaphore, #tpu.memory_space<semaphore_mem>>)
    %dma_start3A_73 = arith.constant 1 : i32
    %dma_start3A_74 = arith.constant 128 : i32
    %dma_start3A_75 = tpu.memref_slice %arg10[%dma_start3A_74] : memref<1024xi32, #tpu.memory_space<vmem>> -> memref<128xi32, #tpu.memory_space<vmem>>
    %dma_start3A_76 = arith.constant 0 : i32
    %dma_start3A_77 = tpu.memref_slice %arg8[%dma_start3A_73, %dma_start3A_76] : memref<8x128xi32, #tpu.memory_space<vmem>> -> memref<1x128xi32, #tpu.memory_space<vmem>>
    %dma_start3A_78 = tpu.memref_squeeze %dma_start3A_77 : memref<1x128xi32, #tpu.memory_space<vmem>> -> memref<128xi32, #tpu.memory_space<vmem>>
    %dma_start3A_79 = arith.constant 0 : i32
    %dma_start3A_80 = tpu.memref_slice %arg3[%dma_start3A_79] : memref<200000xi32, #tpu.memory_space<hbm>> -> memref<200000xi32, #tpu.memory_space<hbm>>
    tpu.enqueue_indirect_dma source(%dma_start3A_80 : memref<200000xi32, #tpu.memory_space<hbm>>) target(%dma_start3A_75 : memref<128xi32, #tpu.memory_space<vmem>>) offsets(%dma_start3A_78 : memref<128xi32, #tpu.memory_space<vmem>>) semaphore(%arg13 : memref<!tpu.dma_semaphore, #tpu.memory_space<semaphore_mem>>)
    %dma_start3A_81 = arith.constant 2 : i32
    %dma_start3A_82 = arith.constant 256 : i32
    %dma_start3A_83 = tpu.memref_slice %arg9[%dma_start3A_82] : memref<1024xi32, #tpu.memory_space<vmem>> -> memref<128xi32, #tpu.memory_space<vmem>>
    %dma_start3A_84 = arith.constant 0 : i32
    %dma_start3A_85 = tpu.memref_slice %arg7[%dma_start3A_81, %dma_start3A_84] : memref<8x128xi32, #tpu.memory_space<vmem>> -> memref<1x128xi32, #tpu.memory_space<vmem>>
    %dma_start3A_86 = tpu.memref_squeeze %dma_start3A_85 : memref<1x128xi32, #tpu.memory_space<vmem>> -> memref<128xi32, #tpu.memory_space<vmem>>
    %dma_start3A_87 = arith.constant 0 : i32
    %dma_start3A_88 = tpu.memref_slice %arg3[%dma_start3A_87] : memref<200000xi32, #tpu.memory_space<hbm>> -> memref<200000xi32, #tpu.memory_space<hbm>>
    tpu.enqueue_indirect_dma source(%dma_start3A_88 : memref<200000xi32, #tpu.memory_space<hbm>>) target(%dma_start3A_83 : memref<128xi32, #tpu.memory_space<vmem>>) offsets(%dma_start3A_86 : memref<128xi32, #tpu.memory_space<vmem>>) semaphore(%arg13 : memref<!tpu.dma_semaphore, #tpu.memory_space<semaphore_mem>>)
    %dma_start3A_89 = arith.constant 2 : i32
    %dma_start3A_90 = arith.constant 256 : i32
    %dma_start3A_91 = tpu.memref_slice %arg10[%dma_start3A_90] : memref<1024xi32, #tpu.memory_space<vmem>> -> memref<128xi32, #tpu.memory_space<vmem>>
    %dma_start3A_92 = arith.constant 0 : i32
    %dma_start3A_93 = tpu.memref_slice %arg8[%dma_start3A_89, %dma_start3A_92] : memref<8x128xi32, #tpu.memory_space<vmem>> -> memref<1x128xi32, #tpu.memory_space<vmem>>
    %dma_start3A_94 = tpu.memref_squeeze %dma_start3A_93 : memref<1x128xi32, #tpu.memory_space<vmem>> -> memref<128xi32, #tpu.memory_space<vmem>>
    %dma_start3A_95 = arith.constant 0 : i32
    %dma_start3A_96 = tpu.memref_slice %arg3[%dma_start3A_95] : memref<200000xi32, #tpu.memory_space<hbm>> -> memref<200000xi32, #tpu.memory_space<hbm>>
    tpu.enqueue_indirect_dma source(%dma_start3A_96 : memref<200000xi32, #tpu.memory_space<hbm>>) target(%dma_start3A_91 : memref<128xi32, #tpu.memory_space<vmem>>) offsets(%dma_start3A_94 : memref<128xi32, #tpu.memory_space<vmem>>) semaphore(%arg13 : memref<!tpu.dma_semaphore, #tpu.memory_space<semaphore_mem>>)
    %dma_start3A_97 = arith.constant 3 : i32
    %dma_start3A_98 = arith.constant 384 : i32
    %dma_start3A_99 = tpu.memref_slice %arg9[%dma_start3A_98] : memref<1024xi32, #tpu.memory_space<vmem>> -> memref<128xi32, #tpu.memory_space<vmem>>
    %dma_start3A_100 = arith.constant 0 : i32
    %dma_start3A_101 = tpu.memref_slice %arg7[%dma_start3A_97, %dma_start3A_100] : memref<8x128xi32, #tpu.memory_space<vmem>> -> memref<1x128xi32, #tpu.memory_space<vmem>>
    %dma_start3A_102 = tpu.memref_squeeze %dma_start3A_101 : memref<1x128xi32, #tpu.memory_space<vmem>> -> memref<128xi32, #tpu.memory_space<vmem>>
    %dma_start3A_103 = arith.constant 0 : i32
    %dma_start3A_104 = tpu.memref_slice %arg3[%dma_start3A_103] : memref<200000xi32, #tpu.memory_space<hbm>> -> memref<200000xi32, #tpu.memory_space<hbm>>
    tpu.enqueue_indirect_dma source(%dma_start3A_104 : memref<200000xi32, #tpu.memory_space<hbm>>) target(%dma_start3A_99 : memref<128xi32, #tpu.memory_space<vmem>>) offsets(%dma_start3A_102 : memref<128xi32, #tpu.memory_space<vmem>>) semaphore(%arg13 : memref<!tpu.dma_semaphore, #tpu.memory_space<semaphore_mem>>)
    %dma_start3A_105 = arith.constant 3 : i32
    %dma_start3A_106 = arith.constant 384 : i32
    %dma_start3A_107 = tpu.memref_slice %arg10[%dma_start3A_106] : memref<1024xi32, #tpu.memory_space<vmem>> -> memref<128xi32, #tpu.memory_space<vmem>>
    %dma_start3A_108 = arith.constant 0 : i32
    %dma_start3A_109 = tpu.memref_slice %arg8[%dma_start3A_105, %dma_start3A_108] : memref<8x128xi32, #tpu.memory_space<vmem>> -> memref<1x128xi32, #tpu.memory_space<vmem>>
    %dma_start3A_110 = tpu.memref_squeeze %dma_start3A_109 : memref<1x128xi32, #tpu.memory_space<vmem>> -> memref<128xi32, #tpu.memory_space<vmem>>
    %dma_start3A_111 = arith.constant 0 : i32
    %dma_start3A_112 = tpu.memref_slice %arg3[%dma_start3A_111] : memref<200000xi32, #tpu.memory_space<hbm>> -> memref<200000xi32, #tpu.memory_space<hbm>>
    tpu.enqueue_indirect_dma source(%dma_start3A_112 : memref<200000xi32, #tpu.memory_space<hbm>>) target(%dma_start3A_107 : memref<128xi32, #tpu.memory_space<vmem>>) offsets(%dma_start3A_110 : memref<128xi32, #tpu.memory_space<vmem>>) semaphore(%arg13 : memref<!tpu.dma_semaphore, #tpu.memory_space<semaphore_mem>>)
    %dma_start3A_113 = arith.constant 4 : i32
    %dma_start3A_114 = arith.constant 512 : i32
    %dma_start3A_115 = tpu.memref_slice %arg9[%dma_start3A_114] : memref<1024xi32, #tpu.memory_space<vmem>> -> memref<128xi32, #tpu.memory_space<vmem>>
    %dma_start3A_116 = arith.constant 0 : i32
    %dma_start3A_117 = tpu.memref_slice %arg7[%dma_start3A_113, %dma_start3A_116] : memref<8x128xi32, #tpu.memory_space<vmem>> -> memref<1x128xi32, #tpu.memory_space<vmem>>
    %dma_start3A_118 = tpu.memref_squeeze %dma_start3A_117 : memref<1x128xi32, #tpu.memory_space<vmem>> -> memref<128xi32, #tpu.memory_space<vmem>>
    %dma_start3A_119 = arith.constant 0 : i32
    %dma_start3A_120 = tpu.memref_slice %arg3[%dma_start3A_119] : memref<200000xi32, #tpu.memory_space<hbm>> -> memref<200000xi32, #tpu.memory_space<hbm>>
    tpu.enqueue_indirect_dma source(%dma_start3A_120 : memref<200000xi32, #tpu.memory_space<hbm>>) target(%dma_start3A_115 : memref<128xi32, #tpu.memory_space<vmem>>) offsets(%dma_start3A_118 : memref<128xi32, #tpu.memory_space<vmem>>) semaphore(%arg13 : memref<!tpu.dma_semaphore, #tpu.memory_space<semaphore_mem>>)
    %dma_start3A_121 = arith.constant 4 : i32
    %dma_start3A_122 = arith.constant 512 : i32
    %dma_start3A_123 = tpu.memref_slice %arg10[%dma_start3A_122] : memref<1024xi32, #tpu.memory_space<vmem>> -> memref<128xi32, #tpu.memory_space<vmem>>
    %dma_start3A_124 = arith.constant 0 : i32
    %dma_start3A_125 = tpu.memref_slice %arg8[%dma_start3A_121, %dma_start3A_124] : memref<8x128xi32, #tpu.memory_space<vmem>> -> memref<1x128xi32, #tpu.memory_space<vmem>>
    %dma_start3A_126 = tpu.memref_squeeze %dma_start3A_125 : memref<1x128xi32, #tpu.memory_space<vmem>> -> memref<128xi32, #tpu.memory_space<vmem>>
    %dma_start3A_127 = arith.constant 0 : i32
    %dma_start3A_128 = tpu.memref_slice %arg3[%dma_start3A_127] : memref<200000xi32, #tpu.memory_space<hbm>> -> memref<200000xi32, #tpu.memory_space<hbm>>
    tpu.enqueue_indirect_dma source(%dma_start3A_128 : memref<200000xi32, #tpu.memory_space<hbm>>) target(%dma_start3A_123 : memref<128xi32, #tpu.memory_space<vmem>>) offsets(%dma_start3A_126 : memref<128xi32, #tpu.memory_space<vmem>>) semaphore(%arg13 : memref<!tpu.dma_semaphore, #tpu.memory_space<semaphore_mem>>)
    %dma_start3A_129 = arith.constant 5 : i32
    %dma_start3A_130 = arith.constant 640 : i32
    %dma_start3A_131 = tpu.memref_slice %arg9[%dma_start3A_130] : memref<1024xi32, #tpu.memory_space<vmem>> -> memref<128xi32, #tpu.memory_space<vmem>>
    %dma_start3A_132 = arith.constant 0 : i32
    %dma_start3A_133 = tpu.memref_slice %arg7[%dma_start3A_129, %dma_start3A_132] : memref<8x128xi32, #tpu.memory_space<vmem>> -> memref<1x128xi32, #tpu.memory_space<vmem>>
    %dma_start3A_134 = tpu.memref_squeeze %dma_start3A_133 : memref<1x128xi32, #tpu.memory_space<vmem>> -> memref<128xi32, #tpu.memory_space<vmem>>
    %dma_start3A_135 = arith.constant 0 : i32
    %dma_start3A_136 = tpu.memref_slice %arg3[%dma_start3A_135] : memref<200000xi32, #tpu.memory_space<hbm>> -> memref<200000xi32, #tpu.memory_space<hbm>>
    tpu.enqueue_indirect_dma source(%dma_start3A_136 : memref<200000xi32, #tpu.memory_space<hbm>>) target(%dma_start3A_131 : memref<128xi32, #tpu.memory_space<vmem>>) offsets(%dma_start3A_134 : memref<128xi32, #tpu.memory_space<vmem>>) semaphore(%arg13 : memref<!tpu.dma_semaphore, #tpu.memory_space<semaphore_mem>>)
    %dma_start3A_137 = arith.constant 5 : i32
    %dma_start3A_138 = arith.constant 640 : i32
    %dma_start3A_139 = tpu.memref_slice %arg10[%dma_start3A_138] : memref<1024xi32, #tpu.memory_space<vmem>> -> memref<128xi32, #tpu.memory_space<vmem>>
    %dma_start3A_140 = arith.constant 0 : i32
    %dma_start3A_141 = tpu.memref_slice %arg8[%dma_start3A_137, %dma_start3A_140] : memref<8x128xi32, #tpu.memory_space<vmem>> -> memref<1x128xi32, #tpu.memory_space<vmem>>
    %dma_start3A_142 = tpu.memref_squeeze %dma_start3A_141 : memref<1x128xi32, #tpu.memory_space<vmem>> -> memref<128xi32, #tpu.memory_space<vmem>>
    %dma_start3A_143 = arith.constant 0 : i32
    %dma_start3A_144 = tpu.memref_slice %arg3[%dma_start3A_143] : memref<200000xi32, #tpu.memory_space<hbm>> -> memref<200000xi32, #tpu.memory_space<hbm>>
    tpu.enqueue_indirect_dma source(%dma_start3A_144 : memref<200000xi32, #tpu.memory_space<hbm>>) target(%dma_start3A_139 : memref<128xi32, #tpu.memory_space<vmem>>) offsets(%dma_start3A_142 : memref<128xi32, #tpu.memory_space<vmem>>) semaphore(%arg13 : memref<!tpu.dma_semaphore, #tpu.memory_space<semaphore_mem>>)
    %dma_start3A_145 = arith.constant 6 : i32
    %dma_start3A_146 = arith.constant 768 : i32
    %dma_start3A_147 = tpu.memref_slice %arg9[%dma_start3A_146] : memref<1024xi32, #tpu.memory_space<vmem>> -> memref<128xi32, #tpu.memory_space<vmem>>
    %dma_start3A_148 = arith.constant 0 : i32
    %dma_start3A_149 = tpu.memref_slice %arg7[%dma_start3A_145, %dma_start3A_148] : memref<8x128xi32, #tpu.memory_space<vmem>> -> memref<1x128xi32, #tpu.memory_space<vmem>>
    %dma_start3A_150 = tpu.memref_squeeze %dma_start3A_149 : memref<1x128xi32, #tpu.memory_space<vmem>> -> memref<128xi32, #tpu.memory_space<vmem>>
    %dma_start3A_151 = arith.constant 0 : i32
    %dma_start3A_152 = tpu.memref_slice %arg3[%dma_start3A_151] : memref<200000xi32, #tpu.memory_space<hbm>> -> memref<200000xi32, #tpu.memory_space<hbm>>
    tpu.enqueue_indirect_dma source(%dma_start3A_152 : memref<200000xi32, #tpu.memory_space<hbm>>) target(%dma_start3A_147 : memref<128xi32, #tpu.memory_space<vmem>>) offsets(%dma_start3A_150 : memref<128xi32, #tpu.memory_space<vmem>>) semaphore(%arg13 : memref<!tpu.dma_semaphore, #tpu.memory_space<semaphore_mem>>)
    %dma_start3A_153 = arith.constant 6 : i32
    %dma_start3A_154 = arith.constant 768 : i32
    %dma_start3A_155 = tpu.memref_slice %arg10[%dma_start3A_154] : memref<1024xi32, #tpu.memory_space<vmem>> -> memref<128xi32, #tpu.memory_space<vmem>>
    %dma_start3A_156 = arith.constant 0 : i32
    %dma_start3A_157 = tpu.memref_slice %arg8[%dma_start3A_153, %dma_start3A_156] : memref<8x128xi32, #tpu.memory_space<vmem>> -> memref<1x128xi32, #tpu.memory_space<vmem>>
    %dma_start3A_158 = tpu.memref_squeeze %dma_start3A_157 : memref<1x128xi32, #tpu.memory_space<vmem>> -> memref<128xi32, #tpu.memory_space<vmem>>
    %dma_start3A_159 = arith.constant 0 : i32
    %dma_start3A_160 = tpu.memref_slice %arg3[%dma_start3A_159] : memref<200000xi32, #tpu.memory_space<hbm>> -> memref<200000xi32, #tpu.memory_space<hbm>>
    tpu.enqueue_indirect_dma source(%dma_start3A_160 : memref<200000xi32, #tpu.memory_space<hbm>>) target(%dma_start3A_155 : memref<128xi32, #tpu.memory_space<vmem>>) offsets(%dma_start3A_158 : memref<128xi32, #tpu.memory_space<vmem>>) semaphore(%arg13 : memref<!tpu.dma_semaphore, #tpu.memory_space<semaphore_mem>>)
    %dma_start3A_161 = arith.constant 7 : i32
    %dma_start3A_162 = arith.constant 896 : i32
    %dma_start3A_163 = tpu.memref_slice %arg9[%dma_start3A_162] : memref<1024xi32, #tpu.memory_space<vmem>> -> memref<128xi32, #tpu.memory_space<vmem>>
    %dma_start3A_164 = arith.constant 0 : i32
    %dma_start3A_165 = tpu.memref_slice %arg7[%dma_start3A_161, %dma_start3A_164] : memref<8x128xi32, #tpu.memory_space<vmem>> -> memref<1x128xi32, #tpu.memory_space<vmem>>
    %dma_start3A_166 = tpu.memref_squeeze %dma_start3A_165 : memref<1x128xi32, #tpu.memory_space<vmem>> -> memref<128xi32, #tpu.memory_space<vmem>>
    %dma_start3A_167 = arith.constant 0 : i32
    %dma_start3A_168 = tpu.memref_slice %arg3[%dma_start3A_167] : memref<200000xi32, #tpu.memory_space<hbm>> -> memref<200000xi32, #tpu.memory_space<hbm>>
    tpu.enqueue_indirect_dma source(%dma_start3A_168 : memref<200000xi32, #tpu.memory_space<hbm>>) target(%dma_start3A_163 : memref<128xi32, #tpu.memory_space<vmem>>) offsets(%dma_start3A_166 : memref<128xi32, #tpu.memory_space<vmem>>) semaphore(%arg13 : memref<!tpu.dma_semaphore, #tpu.memory_space<semaphore_mem>>)
    %dma_start3A_169 = arith.constant 7 : i32
    %dma_start3A_170 = arith.constant 896 : i32
    %dma_start3A_171 = tpu.memref_slice %arg10[%dma_start3A_170] : memref<1024xi32, #tpu.memory_space<vmem>> -> memref<128xi32, #tpu.memory_space<vmem>>
    %dma_start3A_172 = arith.constant 0 : i32
    %dma_start3A_173 = tpu.memref_slice %arg8[%dma_start3A_169, %dma_start3A_172] : memref<8x128xi32, #tpu.memory_space<vmem>> -> memref<1x128xi32, #tpu.memory_space<vmem>>
    %dma_start3A_174 = tpu.memref_squeeze %dma_start3A_173 : memref<1x128xi32, #tpu.memory_space<vmem>> -> memref<128xi32, #tpu.memory_space<vmem>>
    %dma_start3A_175 = arith.constant 0 : i32
    %dma_start3A_176 = tpu.memref_slice %arg3[%dma_start3A_175] : memref<200000xi32, #tpu.memory_space<hbm>> -> memref<200000xi32, #tpu.memory_space<hbm>>
    tpu.enqueue_indirect_dma source(%dma_start3A_176 : memref<200000xi32, #tpu.memory_space<hbm>>) target(%dma_start3A_171 : memref<128xi32, #tpu.memory_space<vmem>>) offsets(%dma_start3A_174 : memref<128xi32, #tpu.memory_space<vmem>>) semaphore(%arg13 : memref<!tpu.dma_semaphore, #tpu.memory_space<semaphore_mem>>)
    %broadcast_in_dim3A = arith.constant 0.000000e+00 : f32
    %broadcast_in_dim3A_177 = vector.broadcast %broadcast_in_dim3A : f32 to vector<16xf32>
    %broadcast_in_dim3A_178 = arith.constant 0 : i32
    %broadcast_in_dim3A_179 = vector.broadcast %broadcast_in_dim3A_178 : i32 to vector<16xi32>
    %scan3A_180 = arith.constant 0 : i32
    %scan3A_181 = arith.constant 0 : i32
    %scan3A_182 = arith.constant 512 : i32
    %scan3A_183 = arith.addi %scan3A_181, %scan3A_182 : i32
    %scan3A_184 = arith.constant 1 : i32
    scf.for %scan3A_339 = %scan3A_181 to %scan3A_183 step %scan3A_184  : i32 {
      %mul3A_340 = arith.constant 128 : i32
      %mul3A_341 = arith.muli %scan3A_339, %mul3A_340 : i32
      %add3A_342 = arith.constant 0 : i32
      %add3A_343 = arith.addi %mul3A_341, %add3A_342 : i32
      %swap3A = arith.index_cast %add3A_343 : i32 to index
      %swap3A_344 = tpu.vector_load %arg11[%swap3A] {strides = array<i32>} : memref<65536xf32, #tpu.memory_space<vmem>>, vector<16xf32>,
      tpu.vector_store %arg11[%swap3A], %broadcast_in_dim3A_177 {strides = array<i32>} : memref<65536xf32, #tpu.memory_space<vmem>>, vector<16xf32>,
      %mul3A_345 = arith.constant 128 : i32
      %mul3A_346 = arith.muli %scan3A_339, %mul3A_345 : i32
      %add3A_347 = arith.constant 16 : i32
      %add3A_348 = arith.addi %mul3A_346, %add3A_347 : i32
      %swap3A_349 = arith.index_cast %add3A_348 : i32 to index
      %swap3A_350 = tpu.vector_load %arg11[%swap3A_349] {strides = array<i32>} : memref<65536xf32, #tpu.memory_space<vmem>>, vector<16xf32>,
      tpu.vector_store %arg11[%swap3A_349], %broadcast_in_dim3A_177 {strides = array<i32>} : memref<65536xf32, #tpu.memory_space<vmem>>, vector<16xf32>,
      %mul3A_351 = arith.constant 128 : i32
      %mul3A_352 = arith.muli %scan3A_339, %mul3A_351 : i32
      %add3A_353 = arith.constant 32 : i32
      %add3A_354 = arith.addi %mul3A_352, %add3A_353 : i32
      %swap3A_355 = arith.index_cast %add3A_354 : i32 to index
      %swap3A_356 = tpu.vector_load %arg11[%swap3A_355] {strides = array<i32>} : memref<65536xf32, #tpu.memory_space<vmem>>, vector<16xf32>,
      tpu.vector_store %arg11[%swap3A_355], %broadcast_in_dim3A_177 {strides = array<i32>} : memref<65536xf32, #tpu.memory_space<vmem>>, vector<16xf32>,
      %mul3A_357 = arith.constant 128 : i32
      %mul3A_358 = arith.muli %scan3A_339, %mul3A_357 : i32
      %add3A_359 = arith.constant 48 : i32
      %add3A_360 = arith.addi %mul3A_358, %add3A_359 : i32
      %swap3A_361 = arith.index_cast %add3A_360 : i32 to index
      %swap3A_362 = tpu.vector_load %arg11[%swap3A_361] {strides = array<i32>} : memref<65536xf32, #tpu.memory_space<vmem>>, vector<16xf32>,
      tpu.vector_store %arg11[%swap3A_361], %broadcast_in_dim3A_177 {strides = array<i32>} : memref<65536xf32, #tpu.memory_space<vmem>>, vector<16xf32>,
      %mul3A_363 = arith.constant 128 : i32
      %mul3A_364 = arith.muli %scan3A_339, %mul3A_363 : i32
      %add3A_365 = arith.constant 64 : i32
      %add3A_366 = arith.addi %mul3A_364, %add3A_365 : i32
      %swap3A_367 = arith.index_cast %add3A_366 : i32 to index
      %swap3A_368 = tpu.vector_load %arg11[%swap3A_367] {strides = array<i32>} : memref<65536xf32, #tpu.memory_space<vmem>>, vector<16xf32>,
      tpu.vector_store %arg11[%swap3A_367], %broadcast_in_dim3A_177 {strides = array<i32>} : memref<65536xf32, #tpu.memory_space<vmem>>, vector<16xf32>,
      %mul3A_369 = arith.constant 128 : i32
      %mul3A_370 = arith.muli %scan3A_339, %mul3A_369 : i32
      %add3A_371 = arith.constant 80 : i32
      %add3A_372 = arith.addi %mul3A_370, %add3A_371 : i32
      %swap3A_373 = arith.index_cast %add3A_372 : i32 to index
      %swap3A_374 = tpu.vector_load %arg11[%swap3A_373] {strides = array<i32>} : memref<65536xf32, #tpu.memory_space<vmem>>, vector<16xf32>,
      tpu.vector_store %arg11[%swap3A_373], %broadcast_in_dim3A_177 {strides = array<i32>} : memref<65536xf32, #tpu.memory_space<vmem>>, vector<16xf32>,
      %mul3A_375 = arith.constant 128 : i32
      %mul3A_376 = arith.muli %scan3A_339, %mul3A_375 : i32
      %add3A_377 = arith.constant 96 : i32
      %add3A_378 = arith.addi %mul3A_376, %add3A_377 : i32
      %swap3A_379 = arith.index_cast %add3A_378 : i32 to index
      %swap3A_380 = tpu.vector_load %arg11[%swap3A_379] {strides = array<i32>} : memref<65536xf32, #tpu.memory_space<vmem>>, vector<16xf32>,
      tpu.vector_store %arg11[%swap3A_379], %broadcast_in_dim3A_177 {strides = array<i32>} : memref<65536xf32, #tpu.memory_space<vmem>>, vector<16xf32>,
      %mul3A_381 = arith.constant 128 : i32
      %mul3A_382 = arith.muli %scan3A_339, %mul3A_381 : i32
      %add3A_383 = arith.constant 112 : i32
      %add3A_384 = arith.addi %mul3A_382, %add3A_383 : i32
      %swap3A_385 = arith.index_cast %add3A_384 : i32 to index
      %swap3A_386 = tpu.vector_load %arg11[%swap3A_385] {strides = array<i32>} : memref<65536xf32, #tpu.memory_space<vmem>>, vector<16xf32>,
      tpu.vector_store %arg11[%swap3A_385], %broadcast_in_dim3A_177 {strides = array<i32>} : memref<65536xf32, #tpu.memory_space<vmem>>, vector<16xf32>,
    }
    %scan3A_185 = arith.constant 512 : i32
    %scan3A_186 = arith.constant 0 : i32
    %scan3A_187 = arith.constant 0 : i32
    %scan3A_188 = arith.constant 128 : i32
    %scan3A_189 = arith.addi %scan3A_187, %scan3A_188 : i32
    %scan3A_190 = arith.constant 1 : i32
    scf.for %scan3A_339 = %scan3A_187 to %scan3A_189 step %scan3A_190  : i32 {
      %mul3A_340 = arith.constant 128 : i32
      %mul3A_341 = arith.muli %scan3A_339, %mul3A_340 : i32
      %add3A_342 = arith.constant 0 : i32
      %add3A_343 = arith.addi %mul3A_341, %add3A_342 : i32
      %swap3A = arith.index_cast %add3A_343 : i32 to index
      %swap3A_344 = tpu.vector_load %arg12[%swap3A] {strides = array<i32>} : memref<16384xi32, #tpu.memory_space<vmem>>, vector<16xi32>,
      tpu.vector_store %arg12[%swap3A], %broadcast_in_dim3A_179 {strides = array<i32>} : memref<16384xi32, #tpu.memory_space<vmem>>, vector<16xi32>,
      %mul3A_345 = arith.constant 128 : i32
      %mul3A_346 = arith.muli %scan3A_339, %mul3A_345 : i32
      %add3A_347 = arith.constant 16 : i32
      %add3A_348 = arith.addi %mul3A_346, %add3A_347 : i32
      %swap3A_349 = arith.index_cast %add3A_348 : i32 to index
      %swap3A_350 = tpu.vector_load %arg12[%swap3A_349] {strides = array<i32>} : memref<16384xi32, #tpu.memory_space<vmem>>, vector<16xi32>,
      tpu.vector_store %arg12[%swap3A_349], %broadcast_in_dim3A_179 {strides = array<i32>} : memref<16384xi32, #tpu.memory_space<vmem>>, vector<16xi32>,
      %mul3A_351 = arith.constant 128 : i32
      %mul3A_352 = arith.muli %scan3A_339, %mul3A_351 : i32
      %add3A_353 = arith.constant 32 : i32
      %add3A_354 = arith.addi %mul3A_352, %add3A_353 : i32
      %swap3A_355 = arith.index_cast %add3A_354 : i32 to index
      %swap3A_356 = tpu.vector_load %arg12[%swap3A_355] {strides = array<i32>} : memref<16384xi32, #tpu.memory_space<vmem>>, vector<16xi32>,
      tpu.vector_store %arg12[%swap3A_355], %broadcast_in_dim3A_179 {strides = array<i32>} : memref<16384xi32, #tpu.memory_space<vmem>>, vector<16xi32>,
      %mul3A_357 = arith.constant 128 : i32
      %mul3A_358 = arith.muli %scan3A_339, %mul3A_357 : i32
      %add3A_359 = arith.constant 48 : i32
      %add3A_360 = arith.addi %mul3A_358, %add3A_359 : i32
      %swap3A_361 = arith.index_cast %add3A_360 : i32 to index
      %swap3A_362 = tpu.vector_load %arg12[%swap3A_361] {strides = array<i32>} : memref<16384xi32, #tpu.memory_space<vmem>>, vector<16xi32>,
      tpu.vector_store %arg12[%swap3A_361], %broadcast_in_dim3A_179 {strides = array<i32>} : memref<16384xi32, #tpu.memory_space<vmem>>, vector<16xi32>,
      %mul3A_363 = arith.constant 128 : i32
      %mul3A_364 = arith.muli %scan3A_339, %mul3A_363 : i32
      %add3A_365 = arith.constant 64 : i32
      %add3A_366 = arith.addi %mul3A_364, %add3A_365 : i32
      %swap3A_367 = arith.index_cast %add3A_366 : i32 to index
      %swap3A_368 = tpu.vector_load %arg12[%swap3A_367] {strides = array<i32>} : memref<16384xi32, #tpu.memory_space<vmem>>, vector<16xi32>,
      tpu.vector_store %arg12[%swap3A_367], %broadcast_in_dim3A_179 {strides = array<i32>} : memref<16384xi32, #tpu.memory_space<vmem>>, vector<16xi32>,
      %mul3A_369 = arith.constant 128 : i32
      %mul3A_370 = arith.muli %scan3A_339, %mul3A_369 : i32
      %add3A_371 = arith.constant 80 : i32
      %add3A_372 = arith.addi %mul3A_370, %add3A_371 : i32
      %swap3A_373 = arith.index_cast %add3A_372 : i32 to index
      %swap3A_374 = tpu.vector_load %arg12[%swap3A_373] {strides = array<i32>} : memref<16384xi32, #tpu.memory_space<vmem>>, vector<16xi32>,
      tpu.vector_store %arg12[%swap3A_373], %broadcast_in_dim3A_179 {strides = array<i32>} : memref<16384xi32, #tpu.memory_space<vmem>>, vector<16xi32>,
      %mul3A_375 = arith.constant 128 : i32
      %mul3A_376 = arith.muli %scan3A_339, %mul3A_375 : i32
      %add3A_377 = arith.constant 96 : i32
      %add3A_378 = arith.addi %mul3A_376, %add3A_377 : i32
      %swap3A_379 = arith.index_cast %add3A_378 : i32 to index
      %swap3A_380 = tpu.vector_load %arg12[%swap3A_379] {strides = array<i32>} : memref<16384xi32, #tpu.memory_space<vmem>>, vector<16xi32>,
      tpu.vector_store %arg12[%swap3A_379], %broadcast_in_dim3A_179 {strides = array<i32>} : memref<16384xi32, #tpu.memory_space<vmem>>, vector<16xi32>,
      %mul3A_381 = arith.constant 128 : i32
      %mul3A_382 = arith.muli %scan3A_339, %mul3A_381 : i32
      %add3A_383 = arith.constant 112 : i32
      %add3A_384 = arith.addi %mul3A_382, %add3A_383 : i32
      %swap3A_385 = arith.index_cast %add3A_384 : i32 to index
      %swap3A_386 = tpu.vector_load %arg12[%swap3A_385] {strides = array<i32>} : memref<16384xi32, #tpu.memory_space<vmem>>, vector<16xi32>,
      tpu.vector_store %arg12[%swap3A_385], %broadcast_in_dim3A_179 {strides = array<i32>} : memref<16384xi32, #tpu.memory_space<vmem>>, vector<16xi32>,
    }
    %scan3A_191 = arith.constant 128 : i32
    %dma_wait3A = arith.constant 0 : i32
    %dma_wait3A_192 = arith.constant 0 : i32
    %dma_wait3A_193 = tpu.memref_slice %arg9[%dma_wait3A_192] : memref<1024xi32, #tpu.memory_space<vmem>> -> memref<128xi32, #tpu.memory_space<vmem>>
    %dma_wait3A_194 = arith.constant 0 : i32
    %dma_wait3A_195 = tpu.memref_slice %arg7[%dma_wait3A, %dma_wait3A_194] : memref<8x128xi32, #tpu.memory_space<vmem>> -> memref<1x128xi32, #tpu.memory_space<vmem>>
    %dma_wait3A_196 = tpu.memref_squeeze %dma_wait3A_195 : memref<1x128xi32, #tpu.memory_space<vmem>> -> memref<128xi32, #tpu.memory_space<vmem>>
    %dma_wait3A_197 = arith.constant 0 : i32
    %dma_wait3A_198 = tpu.memref_slice %arg3[%dma_wait3A_197] : memref<200000xi32, #tpu.memory_space<hbm>> -> memref<200000xi32, #tpu.memory_space<hbm>>
    tpu.wait_indirect_dma semaphore(%arg13 : memref<!tpu.dma_semaphore, #tpu.memory_space<semaphore_mem>>) src(%dma_wait3A_198 : memref<200000xi32, #tpu.memory_space<hbm>>) dst(%dma_wait3A_193 : memref<128xi32, #tpu.memory_space<vmem>>)
    %dma_wait3A_199 = arith.constant 0 : i32
    %dma_wait3A_200 = arith.constant 0 : i32
    %dma_wait3A_201 = tpu.memref_slice %arg10[%dma_wait3A_200] : memref<1024xi32, #tpu.memory_space<vmem>> -> memref<128xi32, #tpu.memory_space<vmem>>
    %dma_wait3A_202 = arith.constant 0 : i32
    %dma_wait3A_203 = tpu.memref_slice %arg8[%dma_wait3A_199, %dma_wait3A_202] : memref<8x128xi32, #tpu.memory_space<vmem>> -> memref<1x128xi32, #tpu.memory_space<vmem>>
    %dma_wait3A_204 = tpu.memref_squeeze %dma_wait3A_203 : memref<1x128xi32, #tpu.memory_space<vmem>> -> memref<128xi32, #tpu.memory_space<vmem>>
    %dma_wait3A_205 = arith.constant 0 : i32
    %dma_wait3A_206 = tpu.memref_slice %arg3[%dma_wait3A_205] : memref<200000xi32, #tpu.memory_space<hbm>> -> memref<200000xi32, #tpu.memory_space<hbm>>
    tpu.wait_indirect_dma semaphore(%arg13 : memref<!tpu.dma_semaphore, #tpu.memory_space<semaphore_mem>>) src(%dma_wait3A_206 : memref<200000xi32, #tpu.memory_space<hbm>>) dst(%dma_wait3A_201 : memref<128xi32, #tpu.memory_space<vmem>>)
    %dma_wait3A_207 = arith.constant 1 : i32
    %dma_wait3A_208 = arith.constant 128 : i32
    %dma_wait3A_209 = tpu.memref_slice %arg9[%dma_wait3A_208] : memref<1024xi32, #tpu.memory_space<vmem>> -> memref<128xi32, #tpu.memory_space<vmem>>
    %dma_wait3A_210 = arith.constant 0 : i32
    %dma_wait3A_211 = tpu.memref_slice %arg7[%dma_wait3A_207, %dma_wait3A_210] : memref<8x128xi32, #tpu.memory_space<vmem>> -> memref<1x128xi32, #tpu.memory_space<vmem>>
    %dma_wait3A_212 = tpu.memref_squeeze %dma_wait3A_211 : memref<1x128xi32, #tpu.memory_space<vmem>> -> memref<128xi32, #tpu.memory_space<vmem>>
    %dma_wait3A_213 = arith.constant 0 : i32
    %dma_wait3A_214 = tpu.memref_slice %arg3[%dma_wait3A_213] : memref<200000xi32, #tpu.memory_space<hbm>> -> memref<200000xi32, #tpu.memory_space<hbm>>
    tpu.wait_indirect_dma semaphore(%arg13 : memref<!tpu.dma_semaphore, #tpu.memory_space<semaphore_mem>>) src(%dma_wait3A_214 : memref<200000xi32, #tpu.memory_space<hbm>>) dst(%dma_wait3A_209 : memref<128xi32, #tpu.memory_space<vmem>>)
    %dma_wait3A_215 = arith.constant 1 : i32
    %dma_wait3A_216 = arith.constant 128 : i32
    %dma_wait3A_217 = tpu.memref_slice %arg10[%dma_wait3A_216] : memref<1024xi32, #tpu.memory_space<vmem>> -> memref<128xi32, #tpu.memory_space<vmem>>
    %dma_wait3A_218 = arith.constant 0 : i32
    %dma_wait3A_219 = tpu.memref_slice %arg8[%dma_wait3A_215, %dma_wait3A_218] : memref<8x128xi32, #tpu.memory_space<vmem>> -> memref<1x128xi32, #tpu.memory_space<vmem>>
    %dma_wait3A_220 = tpu.memref_squeeze %dma_wait3A_219 : memref<1x128xi32, #tpu.memory_space<vmem>> -> memref<128xi32, #tpu.memory_space<vmem>>
    %dma_wait3A_221 = arith.constant 0 : i32
    %dma_wait3A_222 = tpu.memref_slice %arg3[%dma_wait3A_221] : memref<200000xi32, #tpu.memory_space<hbm>> -> memref<200000xi32, #tpu.memory_space<hbm>>
    tpu.wait_indirect_dma semaphore(%arg13 : memref<!tpu.dma_semaphore, #tpu.memory_space<semaphore_mem>>) src(%dma_wait3A_222 : memref<200000xi32, #tpu.memory_space<hbm>>) dst(%dma_wait3A_217 : memref<128xi32, #tpu.memory_space<vmem>>)
    %dma_wait3A_223 = arith.constant 2 : i32
    %dma_wait3A_224 = arith.constant 256 : i32
    %dma_wait3A_225 = tpu.memref_slice %arg9[%dma_wait3A_224] : memref<1024xi32, #tpu.memory_space<vmem>> -> memref<128xi32, #tpu.memory_space<vmem>>
    %dma_wait3A_226 = arith.constant 0 : i32
    %dma_wait3A_227 = tpu.memref_slice %arg7[%dma_wait3A_223, %dma_wait3A_226] : memref<8x128xi32, #tpu.memory_space<vmem>> -> memref<1x128xi32, #tpu.memory_space<vmem>>
    %dma_wait3A_228 = tpu.memref_squeeze %dma_wait3A_227 : memref<1x128xi32, #tpu.memory_space<vmem>> -> memref<128xi32, #tpu.memory_space<vmem>>
    %dma_wait3A_229 = arith.constant 0 : i32
    %dma_wait3A_230 = tpu.memref_slice %arg3[%dma_wait3A_229] : memref<200000xi32, #tpu.memory_space<hbm>> -> memref<200000xi32, #tpu.memory_space<hbm>>
    tpu.wait_indirect_dma semaphore(%arg13 : memref<!tpu.dma_semaphore, #tpu.memory_space<semaphore_mem>>) src(%dma_wait3A_230 : memref<200000xi32, #tpu.memory_space<hbm>>) dst(%dma_wait3A_225 : memref<128xi32, #tpu.memory_space<vmem>>)
    %dma_wait3A_231 = arith.constant 2 : i32
    %dma_wait3A_232 = arith.constant 256 : i32
    %dma_wait3A_233 = tpu.memref_slice %arg10[%dma_wait3A_232] : memref<1024xi32, #tpu.memory_space<vmem>> -> memref<128xi32, #tpu.memory_space<vmem>>
    %dma_wait3A_234 = arith.constant 0 : i32
    %dma_wait3A_235 = tpu.memref_slice %arg8[%dma_wait3A_231, %dma_wait3A_234] : memref<8x128xi32, #tpu.memory_space<vmem>> -> memref<1x128xi32, #tpu.memory_space<vmem>>
    %dma_wait3A_236 = tpu.memref_squeeze %dma_wait3A_235 : memref<1x128xi32, #tpu.memory_space<vmem>> -> memref<128xi32, #tpu.memory_space<vmem>>
    %dma_wait3A_237 = arith.constant 0 : i32
    %dma_wait3A_238 = tpu.memref_slice %arg3[%dma_wait3A_237] : memref<200000xi32, #tpu.memory_space<hbm>> -> memref<200000xi32, #tpu.memory_space<hbm>>
    tpu.wait_indirect_dma semaphore(%arg13 : memref<!tpu.dma_semaphore, #tpu.memory_space<semaphore_mem>>) src(%dma_wait3A_238 : memref<200000xi32, #tpu.memory_space<hbm>>) dst(%dma_wait3A_233 : memref<128xi32, #tpu.memory_space<vmem>>)
    %dma_wait3A_239 = arith.constant 3 : i32
    %dma_wait3A_240 = arith.constant 384 : i32
    %dma_wait3A_241 = tpu.memref_slice %arg9[%dma_wait3A_240] : memref<1024xi32, #tpu.memory_space<vmem>> -> memref<128xi32, #tpu.memory_space<vmem>>
    %dma_wait3A_242 = arith.constant 0 : i32
    %dma_wait3A_243 = tpu.memref_slice %arg7[%dma_wait3A_239, %dma_wait3A_242] : memref<8x128xi32, #tpu.memory_space<vmem>> -> memref<1x128xi32, #tpu.memory_space<vmem>>
    %dma_wait3A_244 = tpu.memref_squeeze %dma_wait3A_243 : memref<1x128xi32, #tpu.memory_space<vmem>> -> memref<128xi32, #tpu.memory_space<vmem>>
    %dma_wait3A_245 = arith.constant 0 : i32
    %dma_wait3A_246 = tpu.memref_slice %arg3[%dma_wait3A_245] : memref<200000xi32, #tpu.memory_space<hbm>> -> memref<200000xi32, #tpu.memory_space<hbm>>
    tpu.wait_indirect_dma semaphore(%arg13 : memref<!tpu.dma_semaphore, #tpu.memory_space<semaphore_mem>>) src(%dma_wait3A_246 : memref<200000xi32, #tpu.memory_space<hbm>>) dst(%dma_wait3A_241 : memref<128xi32, #tpu.memory_space<vmem>>)
    %dma_wait3A_247 = arith.constant 3 : i32
    %dma_wait3A_248 = arith.constant 384 : i32
    %dma_wait3A_249 = tpu.memref_slice %arg10[%dma_wait3A_248] : memref<1024xi32, #tpu.memory_space<vmem>> -> memref<128xi32, #tpu.memory_space<vmem>>
    %dma_wait3A_250 = arith.constant 0 : i32
    %dma_wait3A_251 = tpu.memref_slice %arg8[%dma_wait3A_247, %dma_wait3A_250] : memref<8x128xi32, #tpu.memory_space<vmem>> -> memref<1x128xi32, #tpu.memory_space<vmem>>
    %dma_wait3A_252 = tpu.memref_squeeze %dma_wait3A_251 : memref<1x128xi32, #tpu.memory_space<vmem>> -> memref<128xi32, #tpu.memory_space<vmem>>
    %dma_wait3A_253 = arith.constant 0 : i32
    %dma_wait3A_254 = tpu.memref_slice %arg3[%dma_wait3A_253] : memref<200000xi32, #tpu.memory_space<hbm>> -> memref<200000xi32, #tpu.memory_space<hbm>>
    tpu.wait_indirect_dma semaphore(%arg13 : memref<!tpu.dma_semaphore, #tpu.memory_space<semaphore_mem>>) src(%dma_wait3A_254 : memref<200000xi32, #tpu.memory_space<hbm>>) dst(%dma_wait3A_249 : memref<128xi32, #tpu.memory_space<vmem>>)
    %dma_wait3A_255 = arith.constant 4 : i32
    %dma_wait3A_256 = arith.constant 512 : i32
    %dma_wait3A_257 = tpu.memref_slice %arg9[%dma_wait3A_256] : memref<1024xi32, #tpu.memory_space<vmem>> -> memref<128xi32, #tpu.memory_space<vmem>>
    %dma_wait3A_258 = arith.constant 0 : i32
    %dma_wait3A_259 = tpu.memref_slice %arg7[%dma_wait3A_255, %dma_wait3A_258] : memref<8x128xi32, #tpu.memory_space<vmem>> -> memref<1x128xi32, #tpu.memory_space<vmem>>
    %dma_wait3A_260 = tpu.memref_squeeze %dma_wait3A_259 : memref<1x128xi32, #tpu.memory_space<vmem>> -> memref<128xi32, #tpu.memory_space<vmem>>
    %dma_wait3A_261 = arith.constant 0 : i32
    %dma_wait3A_262 = tpu.memref_slice %arg3[%dma_wait3A_261] : memref<200000xi32, #tpu.memory_space<hbm>> -> memref<200000xi32, #tpu.memory_space<hbm>>
    tpu.wait_indirect_dma semaphore(%arg13 : memref<!tpu.dma_semaphore, #tpu.memory_space<semaphore_mem>>) src(%dma_wait3A_262 : memref<200000xi32, #tpu.memory_space<hbm>>) dst(%dma_wait3A_257 : memref<128xi32, #tpu.memory_space<vmem>>)
    %dma_wait3A_263 = arith.constant 4 : i32
    %dma_wait3A_264 = arith.constant 512 : i32
    %dma_wait3A_265 = tpu.memref_slice %arg10[%dma_wait3A_264] : memref<1024xi32, #tpu.memory_space<vmem>> -> memref<128xi32, #tpu.memory_space<vmem>>
    %dma_wait3A_266 = arith.constant 0 : i32
    %dma_wait3A_267 = tpu.memref_slice %arg8[%dma_wait3A_263, %dma_wait3A_266] : memref<8x128xi32, #tpu.memory_space<vmem>> -> memref<1x128xi32, #tpu.memory_space<vmem>>
    %dma_wait3A_268 = tpu.memref_squeeze %dma_wait3A_267 : memref<1x128xi32, #tpu.memory_space<vmem>> -> memref<128xi32, #tpu.memory_space<vmem>>
    %dma_wait3A_269 = arith.constant 0 : i32
    %dma_wait3A_270 = tpu.memref_slice %arg3[%dma_wait3A_269] : memref<200000xi32, #tpu.memory_space<hbm>> -> memref<200000xi32, #tpu.memory_space<hbm>>
    tpu.wait_indirect_dma semaphore(%arg13 : memref<!tpu.dma_semaphore, #tpu.memory_space<semaphore_mem>>) src(%dma_wait3A_270 : memref<200000xi32, #tpu.memory_space<hbm>>) dst(%dma_wait3A_265 : memref<128xi32, #tpu.memory_space<vmem>>)
    %dma_wait3A_271 = arith.constant 5 : i32
    %dma_wait3A_272 = arith.constant 640 : i32
    %dma_wait3A_273 = tpu.memref_slice %arg9[%dma_wait3A_272] : memref<1024xi32, #tpu.memory_space<vmem>> -> memref<128xi32, #tpu.memory_space<vmem>>
    %dma_wait3A_274 = arith.constant 0 : i32
    %dma_wait3A_275 = tpu.memref_slice %arg7[%dma_wait3A_271, %dma_wait3A_274] : memref<8x128xi32, #tpu.memory_space<vmem>> -> memref<1x128xi32, #tpu.memory_space<vmem>>
    %dma_wait3A_276 = tpu.memref_squeeze %dma_wait3A_275 : memref<1x128xi32, #tpu.memory_space<vmem>> -> memref<128xi32, #tpu.memory_space<vmem>>
    %dma_wait3A_277 = arith.constant 0 : i32
    %dma_wait3A_278 = tpu.memref_slice %arg3[%dma_wait3A_277] : memref<200000xi32, #tpu.memory_space<hbm>> -> memref<200000xi32, #tpu.memory_space<hbm>>
    tpu.wait_indirect_dma semaphore(%arg13 : memref<!tpu.dma_semaphore, #tpu.memory_space<semaphore_mem>>) src(%dma_wait3A_278 : memref<200000xi32, #tpu.memory_space<hbm>>) dst(%dma_wait3A_273 : memref<128xi32, #tpu.memory_space<vmem>>)
    %dma_wait3A_279 = arith.constant 5 : i32
    %dma_wait3A_280 = arith.constant 640 : i32
    %dma_wait3A_281 = tpu.memref_slice %arg10[%dma_wait3A_280] : memref<1024xi32, #tpu.memory_space<vmem>> -> memref<128xi32, #tpu.memory_space<vmem>>
    %dma_wait3A_282 = arith.constant 0 : i32
    %dma_wait3A_283 = tpu.memref_slice %arg8[%dma_wait3A_279, %dma_wait3A_282] : memref<8x128xi32, #tpu.memory_space<vmem>> -> memref<1x128xi32, #tpu.memory_space<vmem>>
    %dma_wait3A_284 = tpu.memref_squeeze %dma_wait3A_283 : memref<1x128xi32, #tpu.memory_space<vmem>> -> memref<128xi32, #tpu.memory_space<vmem>>
    %dma_wait3A_285 = arith.constant 0 : i32
    %dma_wait3A_286 = tpu.memref_slice %arg3[%dma_wait3A_285] : memref<200000xi32, #tpu.memory_space<hbm>> -> memref<200000xi32, #tpu.memory_space<hbm>>
    tpu.wait_indirect_dma semaphore(%arg13 : memref<!tpu.dma_semaphore, #tpu.memory_space<semaphore_mem>>) src(%dma_wait3A_286 : memref<200000xi32, #tpu.memory_space<hbm>>) dst(%dma_wait3A_281 : memref<128xi32, #tpu.memory_space<vmem>>)
    %dma_wait3A_287 = arith.constant 6 : i32
    %dma_wait3A_288 = arith.constant 768 : i32
    %dma_wait3A_289 = tpu.memref_slice %arg9[%dma_wait3A_288] : memref<1024xi32, #tpu.memory_space<vmem>> -> memref<128xi32, #tpu.memory_space<vmem>>
    %dma_wait3A_290 = arith.constant 0 : i32
    %dma_wait3A_291 = tpu.memref_slice %arg7[%dma_wait3A_287, %dma_wait3A_290] : memref<8x128xi32, #tpu.memory_space<vmem>> -> memref<1x128xi32, #tpu.memory_space<vmem>>
    %dma_wait3A_292 = tpu.memref_squeeze %dma_wait3A_291 : memref<1x128xi32, #tpu.memory_space<vmem>> -> memref<128xi32, #tpu.memory_space<vmem>>
    %dma_wait3A_293 = arith.constant 0 : i32
    %dma_wait3A_294 = tpu.memref_slice %arg3[%dma_wait3A_293] : memref<200000xi32, #tpu.memory_space<hbm>> -> memref<200000xi32, #tpu.memory_space<hbm>>
    tpu.wait_indirect_dma semaphore(%arg13 : memref<!tpu.dma_semaphore, #tpu.memory_space<semaphore_mem>>) src(%dma_wait3A_294 : memref<200000xi32, #tpu.memory_space<hbm>>) dst(%dma_wait3A_289 : memref<128xi32, #tpu.memory_space<vmem>>)
    %dma_wait3A_295 = arith.constant 6 : i32
    %dma_wait3A_296 = arith.constant 768 : i32
    %dma_wait3A_297 = tpu.memref_slice %arg10[%dma_wait3A_296] : memref<1024xi32, #tpu.memory_space<vmem>> -> memref<128xi32, #tpu.memory_space<vmem>>
    %dma_wait3A_298 = arith.constant 0 : i32
    %dma_wait3A_299 = tpu.memref_slice %arg8[%dma_wait3A_295, %dma_wait3A_298] : memref<8x128xi32, #tpu.memory_space<vmem>> -> memref<1x128xi32, #tpu.memory_space<vmem>>
    %dma_wait3A_300 = tpu.memref_squeeze %dma_wait3A_299 : memref<1x128xi32, #tpu.memory_space<vmem>> -> memref<128xi32, #tpu.memory_space<vmem>>
    %dma_wait3A_301 = arith.constant 0 : i32
    %dma_wait3A_302 = tpu.memref_slice %arg3[%dma_wait3A_301] : memref<200000xi32, #tpu.memory_space<hbm>> -> memref<200000xi32, #tpu.memory_space<hbm>>
    tpu.wait_indirect_dma semaphore(%arg13 : memref<!tpu.dma_semaphore, #tpu.memory_space<semaphore_mem>>) src(%dma_wait3A_302 : memref<200000xi32, #tpu.memory_space<hbm>>) dst(%dma_wait3A_297 : memref<128xi32, #tpu.memory_space<vmem>>)
    %dma_wait3A_303 = arith.constant 7 : i32
    %dma_wait3A_304 = arith.constant 896 : i32
    %dma_wait3A_305 = tpu.memref_slice %arg9[%dma_wait3A_304] : memref<1024xi32, #tpu.memory_space<vmem>> -> memref<128xi32, #tpu.memory_space<vmem>>
    %dma_wait3A_306 = arith.constant 0 : i32
    %dma_wait3A_307 = tpu.memref_slice %arg7[%dma_wait3A_303, %dma_wait3A_306] : memref<8x128xi32, #tpu.memory_space<vmem>> -> memref<1x128xi32, #tpu.memory_space<vmem>>
    %dma_wait3A_308 = tpu.memref_squeeze %dma_wait3A_307 : memref<1x128xi32, #tpu.memory_space<vmem>> -> memref<128xi32, #tpu.memory_space<vmem>>
    %dma_wait3A_309 = arith.constant 0 : i32
    %dma_wait3A_310 = tpu.memref_slice %arg3[%dma_wait3A_309] : memref<200000xi32, #tpu.memory_space<hbm>> -> memref<200000xi32, #tpu.memory_space<hbm>>
    tpu.wait_indirect_dma semaphore(%arg13 : memref<!tpu.dma_semaphore, #tpu.memory_space<semaphore_mem>>) src(%dma_wait3A_310 : memref<200000xi32, #tpu.memory_space<hbm>>) dst(%dma_wait3A_305 : memref<128xi32, #tpu.memory_space<vmem>>)
    %dma_wait3A_311 = arith.constant 7 : i32
    %dma_wait3A_312 = arith.constant 896 : i32
    %dma_wait3A_313 = tpu.memref_slice %arg10[%dma_wait3A_312] : memref<1024xi32, #tpu.memory_space<vmem>> -> memref<128xi32, #tpu.memory_space<vmem>>
    %dma_wait3A_314 = arith.constant 0 : i32
    %dma_wait3A_315 = tpu.memref_slice %arg8[%dma_wait3A_311, %dma_wait3A_314] : memref<8x128xi32, #tpu.memory_space<vmem>> -> memref<1x128xi32, #tpu.memory_space<vmem>>
    %dma_wait3A_316 = tpu.memref_squeeze %dma_wait3A_315 : memref<1x128xi32, #tpu.memory_space<vmem>> -> memref<128xi32, #tpu.memory_space<vmem>>
    %dma_wait3A_317 = arith.constant 0 : i32
    %dma_wait3A_318 = tpu.memref_slice %arg3[%dma_wait3A_317] : memref<200000xi32, #tpu.memory_space<hbm>> -> memref<200000xi32, #tpu.memory_space<hbm>>
    tpu.wait_indirect_dma semaphore(%arg13 : memref<!tpu.dma_semaphore, #tpu.memory_space<semaphore_mem>>) src(%dma_wait3A_318 : memref<200000xi32, #tpu.memory_space<hbm>>) dst(%dma_wait3A_313 : memref<128xi32, #tpu.memory_space<vmem>>)
    %iota3A = tpu.iota {dimensions = array<i32: 0>} : vector<16xi32>
    %broadcast_in_dim3A_319 = arith.constant 5.000000e-01 : f32
    %broadcast_in_dim3A_320 = vector.broadcast %broadcast_in_dim3A_319 : f32 to vector<16xf32>
    %broadcast_in_dim3A_321 = arith.constant 1 : i32
    %broadcast_in_dim3A_322 = vector.broadcast %broadcast_in_dim3A_321 : i32 to vector<16xi32>
    %broadcast_in_dim3A_323 = arith.constant 0 : i32
    %broadcast_in_dim3A_324 = vector.broadcast %broadcast_in_dim3A_323 : i32 to vector<16xi32>
    %scan3A_325 = arith.constant 0 : i32
    %scan3A_326 = arith.constant 0 : i32
    %scan3A_327 = arith.constant 64 : i32
    %scan3A_328 = arith.addi %scan3A_326, %scan3A_327 : i32
    %scan3A_329 = arith.constant 1 : i32
    scf.for %scan3A_339 = %scan3A_326 to %scan3A_328 step %scan3A_329  : i32 {
      %mul3A_340 = arith.constant 16 : i32
      %mul3A_341 = arith.muli %scan3A_339, %mul3A_340 : i32
      %add3A_342 = vector.broadcast %mul3A_341 : i32 to vector<16xi32>
      %add3A_343 = arith.addi %add3A_342, %iota3A : vector<16xi32>
      %mul3A_344 = arith.constant 64 : i32
      %mul3A_345 = vector.broadcast %mul3A_344 : i32 to vector<16xi32>
      %mul3A_346 = arith.muli %add3A_343, %mul3A_345 : vector<16xi32>
      %mul3A_347 = arith.constant 16 : i32
      %mul3A_348 = vector.broadcast %mul3A_347 : i32 to vector<16xi32>
      %mul3A_349 = arith.muli %add3A_343, %mul3A_348 : vector<16xi32>
      %mul3A_350 = arith.constant 16 : i32
      %mul3A_351 = arith.muli %scan3A_339, %mul3A_350 : i32
      %get3A = arith.index_cast %mul3A_351 : i32 to index
      %get3A_352 = tpu.vector_load %arg9[%get3A] {strides = array<i32>} : memref<1024xi32, #tpu.memory_space<vmem>>, vector<16xi32>,
      %add3A_353 = arith.addi %mul3A_346, %get3A_352 : vector<16xi32>
      tpu.vector_store_idx %arg11[%add3A_353], %broadcast_in_dim3A_320 : memref<65536xf32, #tpu.memory_space<vmem>>[vector<16xi32>], vector<16xf32>,
      %shift_right_logical3A = arith.constant 2 : i32
      %shift_right_logical3A_354 = vector.broadcast %shift_right_logical3A : i32 to vector<16xi32>
      %shift_right_logical3A_355 = arith.shrui %get3A_352, %shift_right_logical3A_354 : vector<16xi32>
      %add3A_356 = arith.addi %mul3A_349, %shift_right_logical3A_355 : vector<16xi32>
      %and3A = arith.constant 3 : i32
      %and3A_357 = vector.broadcast %and3A : i32 to vector<16xi32>
      %and3A_358 = arith.andi %get3A_352, %and3A_357 : vector<16xi32>
      %shift_left3A = arith.constant 3 : i32
      %shift_left3A_359 = vector.broadcast %shift_left3A : i32 to vector<16xi32>
      %shift_left3A_360 = arith.shli %and3A_358, %shift_left3A_359 : vector<16xi32>
      %shift_left3A_361 = arith.shli %broadcast_in_dim3A_322, %shift_left3A_360 : vector<16xi32>
      tpu.vector_store_idx %arg12[%add3A_356], %shift_left3A_361 {add = true} : memref<16384xi32, #tpu.memory_space<vmem>>[vector<16xi32>], vector<16xi32>,
      %mul3A_362 = arith.constant 16 : i32
      %mul3A_363 = arith.muli %scan3A_339, %mul3A_362 : i32
      %get3A_364 = arith.index_cast %mul3A_363 : i32 to index
      %get3A_365 = tpu.vector_load %arg10[%get3A_364] {strides = array<i32>} : memref<1024xi32, #tpu.memory_space<vmem>>, vector<16xi32>,
      %add3A_366 = arith.addi %mul3A_346, %get3A_365 : vector<16xi32>
      tpu.vector_store_idx %arg11[%add3A_366], %broadcast_in_dim3A_320 : memref<65536xf32, #tpu.memory_space<vmem>>[vector<16xi32>], vector<16xf32>,
      %shift_right_logical3A_367 = arith.constant 2 : i32
      %shift_right_logical3A_368 = vector.broadcast %shift_right_logical3A_367 : i32 to vector<16xi32>
      %shift_right_logical3A_369 = arith.shrui %get3A_365, %shift_right_logical3A_368 : vector<16xi32>
      %add3A_370 = arith.addi %mul3A_349, %shift_right_logical3A_369 : vector<16xi32>
      %and3A_371 = arith.constant 3 : i32
      %and3A_372 = vector.broadcast %and3A_371 : i32 to vector<16xi32>
      %and3A_373 = arith.andi %get3A_365, %and3A_372 : vector<16xi32>
      %shift_left3A_374 = arith.constant 3 : i32
      %shift_left3A_375 = vector.broadcast %shift_left3A_374 : i32 to vector<16xi32>
      %shift_left3A_376 = arith.shli %and3A_373, %shift_left3A_375 : vector<16xi32>
      %shift_left3A_377 = arith.shli %broadcast_in_dim3A_322, %shift_left3A_376 : vector<16xi32>
      tpu.vector_store_idx %arg12[%add3A_370], %shift_left3A_377 {add = true} : memref<16384xi32, #tpu.memory_space<vmem>>[vector<16xi32>], vector<16xi32>,
    }
    %scan3A_330 = arith.constant 64 : i32
    %mul3A_331 = arith.constant 1024 : i32
    %mul3A_332 = arith.muli %add3A, %mul3A_331 : i32
    %mul3A_333 = arith.constant 64 : i32
    %mul3A_334 = arith.muli %mul3A_332, %mul3A_333 : i32
    "tpu.region"() ({
      %run_scoped3A = tpu.sem_alloc : memref<!tpu.dma_semaphore, #tpu.memory_space<semaphore_mem>>
      %dma_start3A_339 = tpu.memref_slice %arg4[%mul3A_334] : memref<2097152xf32, #tpu.memory_space<hbm>> -> memref<65536xf32, #tpu.memory_space<hbm>>
      %dma_start3A_340 = tpu.memref_slice %arg4[%mul3A_334] : memref<2097152xf32, #tpu.memory_space<hbm>> -> memref<65536xf32, #tpu.memory_space<hbm>>
      tpu.enqueue_dma source(%arg11 : memref<65536xf32, #tpu.memory_space<vmem>>) target(%dma_start3A_340 : memref<65536xf32, #tpu.memory_space<hbm>>) target_semaphore(%run_scoped3A : memref<!tpu.dma_semaphore, #tpu.memory_space<semaphore_mem>>)
      %dma_wait3A_341 = tpu.memref_slice %arg4[%mul3A_334] : memref<2097152xf32, #tpu.memory_space<hbm>> -> memref<65536xf32, #tpu.memory_space<hbm>>
      %dma_wait3A_342 = tpu.memref_slice %arg4[%mul3A_334] : memref<2097152xf32, #tpu.memory_space<hbm>> -> memref<65536xf32, #tpu.memory_space<hbm>>
      tpu.wait_dma2 semaphore(%run_scoped3A : memref<!tpu.dma_semaphore, #tpu.memory_space<semaphore_mem>>) src(%arg11 : memref<65536xf32, #tpu.memory_space<vmem>>) dst(%dma_wait3A_342 : memref<65536xf32, #tpu.memory_space<hbm>>)
      tpu.yield
    }) : () -> ()
    %mul3A_335 = arith.constant 1024 : i32
    %mul3A_336 = arith.muli %add3A, %mul3A_335 : i32
    %mul3A_337 = arith.constant 16 : i32
    %mul3A_338 = arith.muli %mul3A_336, %mul3A_337 : i32
    "tpu.region"() ({
      %run_scoped3A = tpu.sem_alloc : memref<!tpu.dma_semaphore, #tpu.memory_space<semaphore_mem>>
      %dma_start3A_339 = tpu.memref_slice %arg5[%mul3A_338] : memref<524288xi32, #tpu.memory_space<hbm>> -> memref<16384xi32, #tpu.memory_space<hbm>>
      %dma_start3A_340 = tpu.memref_slice %arg5[%mul3A_338] : memref<524288xi32, #tpu.memory_space<hbm>> -> memref<16384xi32, #tpu.memory_space<hbm>>
      tpu.enqueue_dma source(%arg12 : memref<16384xi32, #tpu.memory_space<vmem>>) target(%dma_start3A_340 : memref<16384xi32, #tpu.memory_space<hbm>>) target_semaphore(%run_scoped3A : memref<!tpu.dma_semaphore, #tpu.memory_space<semaphore_mem>>)
      %dma_wait3A_341 = tpu.memref_slice %arg5[%mul3A_338] : memref<524288xi32, #tpu.memory_space<hbm>> -> memref<16384xi32, #tpu.memory_space<hbm>>
      %dma_wait3A_342 = tpu.memref_slice %arg5[%mul3A_338] : memref<524288xi32, #tpu.memory_space<hbm>> -> memref<16384xi32, #tpu.memory_space<hbm>>
      tpu.wait_dma2 semaphore(%run_scoped3A : memref<!tpu.dma_semaphore, #tpu.memory_space<semaphore_mem>>) src(%arg12 : memref<16384xi32, #tpu.memory_space<vmem>>) dst(%dma_wait3A_342 : memref<16384xi32, #tpu.memory_space<hbm>>)
      tpu.yield
    }) : () -> ()
    return
  }
}

</mosaic_0001>

<sc_bundles>
// kernel: kernel.3.cloned.1.call-start
scs
__scs_entry_jumppad:
0x0: {  	(pc) =	sbr.rel $0x88, $3  }
0x1: {  	(tag) =	ssettag $0x0;
	lr =	simm.s32 $0x1  }
0x2: {  	[smem:$0x3F9F] =	sst lr;
	_ =	strace $0xD0000000  }
0x3: {  	_ = 	snop  }
0x4: {  	_ = 	snop  }
0x5: {  	_ = 	snop  }
0x6: {  	_ = 	snop  }
0x7: {  	_ = 	snop  }
__scs_overlays_trampoline_lowered:
0x8: {  	[smem:$0x3FAE] =	sst s0  }
0x9: {  	[smem:$0x3FAF] =	sst s1  }
0xa: {  	[smem:$0x3FB0] =	sst s2  }
0xb: {  	[smem:$0x3FB1] =	sst s3  }
0xc: {  	[smem:$0x3FB2] =	sst s4  }
0xd: {  	[smem:$0x3FB3] =	sst s5  }
0xe: {  	[smem:$0x3FB4] =	sst s6  }
0xf: {  	[smem:$0x3FB5] =	sst s7  }
0x10: {  	[smem:$0x3FB6] =	sst s8  }
0x11: {  	[smem:$0x3FB7] =	sst s9;
	s0 =	simm.s32 @!p0 $0x0  }
0x12: {  	s1 =	sld [smem:$0x3F9D];
	s0 =	simm.s32 @p0 $0x1  }
0x13: {  	[smem:$0x3FB8] =	sst s0;
	s0 =	simm.s32 @!p1 $0x0  }
0x14: {  	s2 =	sld [smem:$0x3F9C];
	s0 =	simm.s32 @p1 $0x1  }
0x15: {  	[smem:$0x3FB9] =	sst s0;
	s0 =	simm.s32 @!p2 $0x0  }
0x16: {  	s3 =	sld [smem:$0x3FDB];
	s0 =	simm.s32 @p2 $0x1  }
0x17: {  	s4 =	simm.s32 $0x1BF5;
	[smem:$0x3FBB] =	sst s0  }
0x18: {  	s0 =	sld [smem:$0x3F9E];
	_ =	swait.ge [sflag:s4], $0x0  }
0x19: {  	s7 =	sld [smem:$0x3F9F]  }
0x1a: {  	s8 =	sadd.s32 $0xFFFFE003, lr  }
0x1b: {  	s9 =	sadd.s32 $0xFFFFFEF7, lr;
	s5 =	simm.s32 $0xFFFFFFFF;
	p2 =	slt.u32 s8, $0xFFFFF086  }
0x1c: {  	p1 =	slt.u32 s9, $0xF7A;
	s5 =	simm.s32 @!p2 $0x0  }
0x1d: {  	s5 =	simm.s32 @p1 $0x1;
	p0 =	seq.s32 s7, s2  }
0x1e: {  	s7 =	smul.u32 @!p0 $0xF7A, s2;
	p2 =	seq.s32 @!p0 s5, $0x0  }
0x1f: {  	s9 =	smul.u32 $0xF7A, s1;
	s8 =	simm.s32 @!p0 $0x1BF5;
	p2 =	por !p2, p0  }
0x20: {  	[sflag:s8] =	ssyncset.s32 @!p0 $0xFFFFF086;
	s6 =	sadd.s32 @!p0 s3, s7;
	s7 =	simm.s32 @!p0 $0x108  }
0x21: {  	s3 =	sadd.s32 s3, s9;
	s6 =	sadd.s32 @!p0 $0x88, s6;
	s7 =	simm.s32 @p2 $0x1082  }
0x22: {  	[simem:s7], [sflag:s8] =	dma.local @!p0 [hbm:s6], $0xF7A  }
0x23: {  	s9 =	sor.u32 $0xD0000000, s2;
	s6 =	simm.s32 $0x108;
	_ =	swait.ge @!p0 [sflag:s8], $0x0  }
0x24: {  	s3 =	sadd.s32 $0x88, s3;
	s6 =	simm.s32 @!p1 $0x1082;
	[sflag:s4] =	ssyncset.s32 $0xFFFFF086  }
0x25: {  	[simem:s6], [sflag:s4] =	dma.local [hbm:s3], $0xF7A  }
0x26: {  	[smem:$0x3F9F] =	sst s1;
	(tag) =	ssettag s2;
	_ =	strace s9  }
0x27: {  	s1 =	sld [smem:$0x3FAF]  }
0x28: {  	s2 =	sld [smem:$0x3FB0]  }
0x29: {  	s4 =	sld [smem:$0x3FB2]  }
0x2a: {  	p0 =	seq.s32 s5, $0x0;
	s5 =	sld [smem:$0x3FB3]  }
0x2b: {  	s6 =	sld [smem:$0x3FB4]  }
0x2c: {  	s7 =	sld [smem:$0x3FB5]  }
0x2d: {  	s3 =	simm.s32 $0x108;
	s8 =	sld [smem:$0x3FB6]  }
0x2e: {  	s3 =	simm.s32 @!p0 $0x1082;
	s9 =	sld [smem:$0x3FB7]  }
0x2f: {  	lr =	sadd.s32 s0, s3;
	s0 =	sld [smem:$0x3FAE]  }
0x30: {  	s3 =	sld [smem:$0x3FB1]  }
0x31: {  	[smem:$0x3FBA] =	sst s10  }
0x32: {  	s10 =	sld [smem:$0x3FB8];
	_ =	sdelay $0x3  }
0x33: {  	p0 =	seq.s32 s10, $0x1;
	s10 =	sld [smem:$0x3FBA];
	_ =	sdelay $0x3  }
0x34: {  	[smem:$0x3FBA] =	sst s10  }
0x35: {  	s10 =	sld [smem:$0x3FB9];
	_ =	sdelay $0x3  }
0x36: {  	p1 =	seq.s32 s10, $0x1;
	s10 =	sld [smem:$0x3FBA];
	_ =	sdelay $0x3  }
0x37: {  	[smem:$0x3FBA] =	sst s10  }
0x38: {  	s10 =	sld [smem:$0x3FBB]  }
0x39: {  	_ = 	snop;
	(pc) =	sbr.ind lr, $3  }
0x3a: {  	_ = 	snop  }
0x3b: {  	_ = 	snop  }
0x3c: {  	p2 =	seq.s32 s10, $0x1;
	s10 =	sld [smem:$0x3FBA]  }
0x3d: {  	_ =	shalt  }
0x3e: {  	_ =	shalt  }
0x3f: {  	_ =	shalt  }
0x40: {  	_ =	shalt  }
0x41: {  	_ =	shalt  }
0x42: {  	_ =	shalt  }
0x43: {  	_ =	shalt  }
0x44: {  	_ =	shalt  }
0x45: {  	_ =	shalt  }
0x46: {  	_ =	shalt  }
0x47: {  	_ =	shalt  }
0x48: {  	_ =	shalt  }
0x49: {  	_ =	shalt  }
0x4a: {  	_ =	shalt  }
0x4b: {  	_ =	shalt  }
0x4c: {  	_ =	shalt  }
0x4d: {  	_ =	shalt  }
0x4e: {  	_ =	shalt  }
0x4f: {  	_ =	shalt  }
0x50: {  	_ =	shalt  }
0x51: {  	_ =	shalt  }
0x52: {  	_ =	shalt  }
0x53: {  	_ =	shalt  }
0x54: {  	_ =	shalt  }
0x55: {  	_ =	shalt  }
0x56: {  	_ =	shalt  }
0x57: {  	_ =	shalt  }
0x58: {  	_ =	shalt  }
0x59: {  	_ =	shalt  }
0x5a: {  	_ =	shalt  }
0x5b: {  	_ =	shalt  }
0x5c: {  	_ =	shalt  }
0x5d: {  	_ =	shalt  }
0x5e: {  	_ =	shalt  }
0x5f: {  	_ =	shalt  }
0x60: {  	_ =	shalt  }
0x61: {  	_ =	shalt  }
0x62: {  	_ =	shalt  }
0x63: {  	_ =	shalt  }
0x64: {  	_ =	shalt  }
0x65: {  	_ =	shalt  }
0x66: {  	_ =	shalt  }
0x67: {  	_ =	shalt  }
0x68: {  	_ =	shalt  }
0x69: {  	_ =	shalt  }
0x6a: {  	_ =	shalt  }
0x6b: {  	_ =	shalt  }
0x6c: {  	_ =	shalt  }
0x6d: {  	_ =	shalt  }
0x6e: {  	_ =	shalt  }
0x6f: {  	_ =	shalt  }
0x70: {  	_ =	shalt  }
0x71: {  	_ =	shalt  }
0x72: {  	_ =	shalt  }
0x73: {  	_ =	shalt  }
0x74: {  	_ =	shalt  }
0x75: {  	_ =	shalt  }
0x76: {  	_ =	shalt  }
0x77: {  	_ =	shalt  }
0x78: {  	_ =	shalt  }
0x79: {  	_ =	shalt  }
0x7a: {  	_ =	shalt  }
0x7b: {  	_ =	shalt  }
0x7c: {  	_ =	shalt  }
0x7d: {  	_ =	shalt  }
0x7e: {  	_ =	shalt  }
0x7f: {  	_ =	shalt  }
0x80: {  	_ =	shalt  }
0x81: {  	_ =	shalt  }
0x82: {  	_ =	shalt  }
0x83: {  	_ =	shalt  }
0x84: {  	_ =	shalt  }
0x85: {  	_ =	shalt  }
0x86: {  	_ =	shalt  }
0x87: {  	_ =	shalt  }
.Lfunc_end0:
.L_simem_size_0:
called_computation_lowered:
.L_overlay_start_0:
0x88: {  	s2 =	sld [smem:$0x3FD9]  }
0x89: {  	s3 =	sld [smem:$0x3FFE];
	_ =	sdelay $0x1  }
0x8a: {  	s1 =	srdreg.scid  }
0x8b: {  	s0 =	sand.u32 $0x1, s1  }
0x8c: {  	s14 =	sshll.u32 s0, $0xA;
	s2 =	sadd.s32 s3, s2  }
0x8d: {  	s2 =	sadd.s32 s2, s14  }
0x8e: {  	[smem:$0x3FC6] =	sst s2  }
0x8f: {  	_ = 	snop  }
0x90: {  	s2 =	sld [smem:$0x3FD0];
	_ =	sdelay $0x2  }
0x91: {  	s15 =	simm.s32 $0xA;
	s4 =	simm.s32 $0x10  }
0x92: {  	[smem:s4], [sflag:s15] =	dma.local [hbm:s2], $0x1  }
0x93: {  	_ =	swait.eq [sflag:s15], $0x1  }
0x94: {  	[sflag:s15] =	ssyncset.done $0x0  }
0x95: {  	s16 =	sld [smem:$0x10];
	[sflag:s15] =	ssyncadd.s32 $0xFFFFFFFF  }
0x96: {  	s17 =	sld [smem:$0x11];
	(tm) =	ssettm $0x1  }
0x97: {  	s18 =	sld [smem:$0x3FFB];
	_ =	sdelay $0x3  }
0x98: {  	_ =	strace s18  }
0x99: {  	s4 =	sld [smem:$0x3FFC];
	_ =	sdelay $0x3  }
0x9a: {  	_ =	strace s4  }
0x9b: {  	s4 =	sld [smem:$0x3FFD];
	_ =	sdelay $0x3  }
0x9c: {  	_ =	strace s4  }
0x9d: {  	_ =	strace $0x8FFFFFFF  }
0x9e: {  	s19 =	sld [smem:$0x3FDB];
	_ =	sdelay $0x1  }
0x9f: {  	s5 =	simm.s32 $_scs_section_size  }
0xa0: {  	s6 =	simm.s32 $_size__tile_overlayer_lowered;
	s7 =	simm.s32 $_tile_overlayer_lowered  }
0xa1: {  	s22 =	simm.s32 $0x1BFF;
	s21 =	sshll.u32 s7, $0x1;
	s4 =	sadd.s32 s5, s19  }
0xa2: {  	s8 =	simm.s32 $0x0;
	s20 =	sshll.u32 s6, $0x1;
	s6 =	sadd.s32 s21, s4  }
0xa3: {  	[timem:s8], [sflag:s22] =	dma.local [hbm:s6], s20  }
0xa4: {  	_ =	swait.ge [sflag:s22], s20  }
0xa5: {  	s5 =	ssub.s32 $0x0, s20;
	[sflag:s22] =	ssyncset.done $0x0  }
0xa6: {  	[sflag:s22] =	ssyncadd.s32 s5;
	_ =	sdelay $0x1  }
0xa7: {  	s23 =	simm.s32 $0x1B8B  }
0xa8: {  	_ =	swait.ge [sflag:s23], $0x1  }
0xa9: {  	[sflag:s23] =	ssyncset.done $0x0  }
0xaa: {  	s25 =	simm.s32 $0x1B8E;
	s24 =	sld [smem:$0x3FFE];
	[sflag:s23] =	ssyncadd.s32 $0xFFFFFFFF  }
0xab: {  	s26 =	simm.s32 $execute0_lowered;
	[smem:$0x3FD2] =	sst s25  }
0xac: {  	s6 =	sshll.u32 s26, $0x1;
	_ =	strace $0x80000046;
	[dreg:$0x1] =	wrdreg $0xFFFFFFFF  }
0xad: {  	s28 =	simm.s32 $_size_execute0_lowered;
	s4 =	sadd.s32 s4, s6;
	[dreg:$0x0] =	wrdreg $0x0  }
0xae: {  	s6 =	sshll.u32 s28, $0x1;
	[dreg:$0x2] =	wrdreg s4  }
0xaf: {  	[dreg:$0x3] =	wrdreg s6  }
0xb0: {  	[dreg:$0x4] =	wrdreg $0xC0  }
0xb1: {  	_ =	task [dreg:s8], $0x5FFFF  }
0xb2: {  	[dreg:$0x1] =	wrdreg $0xFFFFFFFF  }
0xb3: {  	[dreg:$0x0] =	wrdreg $0x60  }
0xb4: {  	[dreg:$0x2] =	wrdreg s24  }
0xb5: {  	[dreg:$0x3] =	wrdreg s16  }
0xb6: {  	[dreg:$0x4] =	wrdreg s17  }
0xb7: {  	[dreg:$0x5] =	wrdreg $0x9  }
0xb8: {  	_ =	task.clear_ibuf [dreg:s8], $0x6FFFF;
	_ =	strace $0x90000046  }
0xb9: {  	s29 =	simm.s32 $0x9;
	_ =	strace $0x80000048  }
0xba: {  	_ =	swait.ge [sflag:s29], $0x1  }
0xbb: {  	[sflag:s29] =	ssyncadd.s32 $0xFFFFFFFF  }
0xbc: {  	_ =	strace $0x90000048  }
0xbd: {  	_ =	sfence  }
0xbe: {  	s30 =	sld [smem:$0x0];
	_ =	sdelay $0x2  }
0xbf: {  	s31 =	sshll.u32 s1, $0xD;
	s1 =	sshrl.u32 s1, $0x2  }
0xc0: {  	s3 =	sand.u32 $0x4000, s31;
	s1 =	sadd.s32 s1, s30  }
0xc1: {  	s0 =	sor.u32 s3, s0;
	s1 =	sshll.u32 s1, $0x11  }
0xc2: {  	s0 =	sor.u32 s1, s0  }
0xc3: {  	s0 =	sadd.s32 $0x8F2B, s0  }
0xc4: {  	[sflag:s0] =	ssyncadd.remote.s32 $0x1  }
0xc5: {  	_ =	sfence.sel $0xFFFF  }
0xc6: {  	[dreg:$0x0] =	wrdreg $0xFFFFFFFF;
	(pc) =	sbr.abs _section_cstart, $3  }
0xc7: {  	[dreg:$0x1] =	wrdreg $0xFFFFFFFF  }
0xc8: {  	_ =	task.clear_ibuf [dreg:s8], $0x2FFFF;
	_ =	strace $0x9FFFFFFF  }
0xc9: {  	(tm) =	ssettm $0x7FFFFFFF  }
tec
execute0_lowered:
.L_overlay_start_1:
0x0: {  	(tag) =	ssettag $0x1  }
0x1: {  	s0 =	rddreg [dreg:$0x0]  }
0x2: {  	s1 =	rddreg [dreg:$0x1]  }
0x3: {  	s6 =	rddreg [dreg:$0x2]  }
0x4: {  	s3 =	srdreg.scid;
	s4 =	stileid.u32;
	s2 =	simm.s32 $0x0  }
0x5: {  	s9 =	simm.s32 $0x80;
	s28 =	simm.s32 $0xE00;
	s29 =	simm.s32 $0xA00  }
0x6: {  	s30 =	simm.s32 $0x1200;
	s31 =	simm.s32 $0x680;
	s10 =	simm.s32 $0x1280  }
0x7: {  	s11 =	simm.s32 $0x700;
	s12 =	simm.s32 $0xF00;
	s13 =	simm.s32 $0xB00  }
0x8: {  	s14 =	simm.s32 $0x1300;
	s15 =	simm.s32 $0x780;
	s16 =	simm.s32 $0xF80  }
0x9: {  	s17 =	simm.s32 $0xB80;
	s18 =	simm.s32 $0x1380;
	s19 =	simm.s32 $0x1  }
0xa: {  	s20 =	simm.s32 $0x1400;
	s21 =	simm.s32 $0x11400;
	s22 =	simm.s32 $0x0  }
0xb: {  	s3 =	sand.u32 $0x1, s3;
	s4 =	sshll.u32 s4, $0x1;
	[smem:$0x7FF] =	sst s2  }
0xc: {  	s4 =	sor.u32 s3, s4;
	_ =	strace $0x80000047;
	s7 =	ssub.s32 $0x2, s3  }
0xd: {  	s3 =	sadd.s32 $0x187400, s0;
	s5 =	sshll.u32 s4, $0x7;
	s25 =	sshrl.u32 s7, $0x1  }
0xe: {  	s26 =	sshll.u32 s4, $0xD;
	s8 =	sshll.u32 s4, $0xB;
	s5 =	sadd.s32 s5, s0  }
0xf: {  	s0 =	ssub.s32 s7, s25;
	s6 =	sadd.s32 s6, s8;
	s8 =	simm.s32 $0x2  }
0x10: {  	v0 =	vimm.f32 $0.0e+00;
	v1 =	vimm.s32 $0x0;
	s4 =	sadd.s32 $0xA00, s5;
	s5 =	sadd.s32 s1, s26;
	s7 =	smax.u32 s0, $0x1  }
0x11: {  	v2 =	vlaneseq.u32;
	v3 =	vimm.f32 $5.000000000e-01;
	v4 =	vimm.s32 $0x1;
	s26 =	simm.s32 $0x600;
	s0 =	simm.s32 $0xE80;
	s1 =	simm.s32 $0xA80  }
.LBB2_1:
0x12: {  	[tilespmem:s2], [sflag:$0x2] =	stream.linear.gather [hbm4b:s4+s2], $0x400, $0x38;
	[tilespmem:$0x15400] =	vst v63  }
0x13: {  	_ =	swait.ge [sflag:s8], $0x400  }
0x14: {  	[sflag:s8] =	ssyncset.done $0x0  }
0x15: {  	[sflag:s8] =	ssyncadd.s32 $0xFFFFFC00  }
0x16: {  	v5 =	vld [tilespmem:$0x0];
	_ =	sdelay $0x1  }
0x17: {  	v6 =	vld [tilespmem:$0x10];
	_ =	sdelay $0x1  }
0x18: {  	v7 =	vld [tilespmem:$0x20]  }
0x19: {  	v5 =	vshll.u32 v5, $0x1  }
0x1a: {  	v8 =	vld [tilespmem:$0x30];
	[tilespmem:$0x400] =	vst v5;
	v5 =	vor.u32 $0x1, v5  }
0x1b: {  	[tilespmem:$0x800] =	vst v5;
	v5 =	vshll.u32 v6, $0x1  }
0x1c: {  	v6 =	vld [tilespmem:$0x40];
	[tilespmem:$0x410] =	vst v5;
	v5 =	vor.u32 $0x1, v5  }
0x1d: {  	[tilespmem:$0x810] =	vst v5;
	v5 =	vshll.u32 v7, $0x1  }
0x1e: {  	v7 =	vld [tilespmem:$0x50];
	[tilespmem:$0x420] =	vst v5;
	v5 =	vor.u32 $0x1, v5  }
0x1f: {  	[tilespmem:$0x820] =	vst v5;
	v5 =	vshll.u32 v8, $0x1  }
0x20: {  	v44 =	vld [tilespmem:$0x60];
	[tilespmem:$0x430] =	vst v5;
	v5 =	vor.u32 $0x1, v5  }
0x21: {  	[tilespmem:$0x830] =	vst v5;
	v5 =	vshll.u32 v6, $0x1  }
0x22: {  	v6 =	vld [tilespmem:$0x70];
	[tilespmem:$0x440] =	vst v5;
	v5 =	vor.u32 $0x1, v5  }
0x23: {  	[tilespmem:$0x840] =	vst v5;
	v5 =	vshll.u32 v7, $0x1  }
0x24: {  	v7 =	vld [tilespmem:$0x80];
	[tilespmem:$0x450] =	vst v5;
	v5 =	vor.u32 $0x1, v5  }
0x25: {  	[tilespmem:$0x850] =	vst v5;
	v5 =	vshll.u32 v44, $0x1  }
0x26: {  	v45 =	vld [tilespmem:$0x90];
	[tilespmem:$0x460] =	vst v5;
	v5 =	vor.u32 $0x1, v5  }
0x27: {  	[tilespmem:$0x860] =	vst v5;
	v5 =	vshll.u32 v6, $0x1  }
0x28: {  	v6 =	vld [tilespmem:$0xA0];
	[tilespmem:$0x470] =	vst v5;
	v5 =	vor.u32 $0x1, v5  }
0x29: {  	[tilespmem:$0x870] =	vst v5;
	v5 =	vshll.u32 v7, $0x1  }
0x2a: {  	v7 =	vld [tilespmem:$0xB0];
	[tilespmem:$0x480] =	vst v5;
	v5 =	vor.u32 $0x1, v5  }
0x2b: {  	[tilespmem:$0x880] =	vst v5;
	v5 =	vshll.u32 v45, $0x1  }
0x2c: {  	v46 =	vld [tilespmem:$0xC0];
	[tilespmem:$0x490] =	vst v5;
	v5 =	vor.u32 $0x1, v5  }
0x2d: {  	[tilespmem:$0x890] =	vst v5;
	v5 =	vshll.u32 v6, $0x1  }
0x2e: {  	v6 =	vld [tilespmem:$0xD0];
	[tilespmem:$0x4A0] =	vst v5;
	v5 =	vor.u32 $0x1, v5  }
0x2f: {  	[tilespmem:$0x8A0] =	vst v5;
	v5 =	vshll.u32 v7, $0x1  }
0x30: {  	v7 =	vld [tilespmem:$0xE0];
	[tilespmem:$0x4B0] =	vst v5;
	v5 =	vor.u32 $0x1, v5  }
0x31: {  	[tilespmem:$0x8B0] =	vst v5;
	v5 =	vshll.u32 v46, $0x1  }
0x32: {  	v47 =	vld [tilespmem:$0xF0];
	[tilespmem:$0x4C0] =	vst v5;
	v5 =	vor.u32 $0x1, v5  }
0x33: {  	[tilespmem:$0x8C0] =	vst v5;
	v5 =	vshll.u32 v6, $0x1  }
0x34: {  	v6 =	vld [tilespmem:$0x100];
	[tilespmem:$0x4D0] =	vst v5;
	v5 =	vor.u32 $0x1, v5  }
0x35: {  	[tilespmem:$0x8D0] =	vst v5;
	v5 =	vshll.u32 v7, $0x1  }
0x36: {  	v7 =	vld [tilespmem:$0x110];
	[tilespmem:$0x4E0] =	vst v5;
	v5 =	vor.u32 $0x1, v5  }
0x37: {  	[tilespmem:$0x8E0] =	vst v5;
	v5 =	vshll.u32 v47, $0x1  }
0x38: {  	v48 =	vld [tilespmem:$0x120];
	[tilespmem:$0x4F0] =	vst v5;
	v5 =	vor.u32 $0x1, v5  }
0x39: {  	[tilespmem:$0x8F0] =	vst v5;
	v5 =	vshll.u32 v6, $0x1  }
0x3a: {  	v6 =	vld [tilespmem:$0x130];
	[tilespmem:$0x500] =	vst v5;
	v5 =	vor.u32 $0x1, v5  }
0x3b: {  	[tilespmem:$0x900] =	vst v5;
	v5 =	vshll.u32 v7, $0x1  }
0x3c: {  	v7 =	vld [tilespmem:$0x140];
	[tilespmem:$0x510] =	vst v5;
	v5 =	vor.u32 $0x1, v5  }
0x3d: {  	[tilespmem:$0x910] =	vst v5;
	v5 =	vshll.u32 v48, $0x1  }
0x3e: {  	v49 =	vld [tilespmem:$0x150];
	[tilespmem:$0x520] =	vst v5;
	v5 =	vor.u32 $0x1, v5  }
0x3f: {  	[tilespmem:$0x920] =	vst v5;
	v5 =	vshll.u32 v6, $0x1  }
0x40: {  	v6 =	vld [tilespmem:$0x160];
	[tilespmem:$0x530] =	vst v5;
	v5 =	vor.u32 $0x1, v5  }
0x41: {  	[tilespmem:$0x930] =	vst v5;
	v5 =	vshll.u32 v7, $0x1  }
0x42: {  	v7 =	vld [tilespmem:$0x170];
	[tilespmem:$0x540] =	vst v5;
	v5 =	vor.u32 $0x1, v5  }
0x43: {  	[tilespmem:$0x940] =	vst v5;
	v5 =	vshll.u32 v49, $0x1  }
0x44: {  	v50 =	vld [tilespmem:$0x180];
	[tilespmem:$0x550] =	vst v5;
	v5 =	vor.u32 $0x1, v5  }
0x45: {  	[tilespmem:$0x950] =	vst v5;
	v5 =	vshll.u32 v6, $0x1  }
0x46: {  	v6 =	vld [tilespmem:$0x190];
	[tilespmem:$0x560] =	vst v5;
	v5 =	vor.u32 $0x1, v5  }
0x47: {  	[tilespmem:$0x960] =	vst v5;
	v5 =	vshll.u32 v7, $0x1  }
0x48: {  	v7 =	vld [tilespmem:$0x1A0];
	[tilespmem:$0x570] =	vst v5;
	v5 =	vor.u32 $0x1, v5  }
0x49: {  	[tilespmem:$0x970] =	vst v5;
	v5 =	vshll.u32 v50, $0x1  }
0x4a: {  	v51 =	vld [tilespmem:$0x1B0];
	[tilespmem:$0x580] =	vst v5;
	v5 =	vor.u32 $0x1, v5  }
0x4b: {  	[tilespmem:$0x980] =	vst v5;
	v5 =	vshll.u32 v6, $0x1  }
0x4c: {  	v6 =	vld [tilespmem:$0x1C0];
	[tilespmem:$0x590] =	vst v5;
	v5 =	vor.u32 $0x1, v5  }
0x4d: {  	[tilespmem:$0x990] =	vst v5;
	v5 =	vshll.u32 v7, $0x1  }
0x4e: {  	v7 =	vld [tilespmem:$0x1D0];
	[tilespmem:$0x5A0] =	vst v5;
	v5 =	vor.u32 $0x1, v5  }
0x4f: {  	[tilespmem:$0x9A0] =	vst v5;
	v5 =	vshll.u32 v51, $0x1  }
0x50: {  	v52 =	vld [tilespmem:$0x1E0];
	[tilespmem:$0x5B0] =	vst v5;
	v5 =	vor.u32 $0x1, v5  }
0x51: {  	[tilespmem:$0x9B0] =	vst v5;
	v5 =	vshll.u32 v6, $0x1  }
0x52: {  	v6 =	vld [tilespmem:$0x1F0];
	[tilespmem:$0x5C0] =	vst v5;
	v5 =	vor.u32 $0x1, v5  }
0x53: {  	[tilespmem:$0x9C0] =	vst v5;
	v5 =	vshll.u32 v7, $0x1  }
0x54: {  	v7 =	vld [tilespmem:$0x200];
	[tilespmem:$0x5D0] =	vst v5;
	v5 =	vor.u32 $0x1, v5  }
0x55: {  	[tilespmem:$0x9D0] =	vst v5;
	v5 =	vshll.u32 v52, $0x1  }
0x56: {  	v53 =	vld [tilespmem:$0x210];
	[tilespmem:$0x5E0] =	vst v5;
	v5 =	vor.u32 $0x1, v5  }
0x57: {  	[tilespmem:$0x9E0] =	vst v5;
	v5 =	vshll.u32 v6, $0x1  }
0x58: {  	v6 =	vld [tilespmem:$0x220];
	[tilespmem:$0x5F0] =	vst v5;
	v5 =	vor.u32 $0x1, v5  }
0x59: {  	[tilespmem:$0x9F0] =	vst v5;
	v5 =	vshll.u32 v7, $0x1  }
0x5a: {  	v7 =	vld [tilespmem:$0x230];
	[tilespmem:$0x600] =	vst v5;
	v5 =	vor.u32 $0x1, v5  }
0x5b: {  	[tilespmem:$0xA00] =	vst v5;
	v5 =	vshll.u32 v53, $0x1  }
0x5c: {  	v54 =	vld [tilespmem:$0x240];
	[tilespmem:$0x610] =	vst v5;
	v5 =	vor.u32 $0x1, v5  }
0x5d: {  	[tilespmem:$0xA10] =	vst v5;
	v5 =	vshll.u32 v6, $0x1  }
0x5e: {  	v6 =	vld [tilespmem:$0x250];
	[tilespmem:$0x620] =	vst v5;
	v5 =	vor.u32 $0x1, v5  }
0x5f: {  	[tilespmem:$0xA20] =	vst v5;
	v5 =	vshll.u32 v7, $0x1  }
0x60: {  	v7 =	vld [tilespmem:$0x260];
	[tilespmem:$0x630] =	vst v5;
	v5 =	vor.u32 $0x1, v5  }
0x61: {  	[tilespmem:$0xA30] =	vst v5;
	v5 =	vshll.u32 v54, $0x1  }
0x62: {  	v55 =	vld [tilespmem:$0x270];
	[tilespmem:$0x640] =	vst v5;
	v5 =	vor.u32 $0x1, v5  }
0x63: {  	[tilespmem:$0xA40] =	vst v5;
	v5 =	vshll.u32 v6, $0x1  }
0x64: {  	v6 =	vld [tilespmem:$0x280];
	[tilespmem:$0x650] =	vst v5;
	v5 =	vor.u32 $0x1, v5  }
0x65: {  	[tilespmem:$0xA50] =	vst v5;
	v5 =	vshll.u32 v7, $0x1  }
0x66: {  	v7 =	vld [tilespmem:$0x290];
	[tilespmem:$0x660] =	vst v5;
	v5 =	vor.u32 $0x1, v5  }
0x67: {  	[tilespmem:$0xA60] =	vst v5;
	v5 =	vshll.u32 v55, $0x1  }
0x68: {  	v56 =	vld [tilespmem:$0x2A0];
	[tilespmem:$0x670] =	vst v5;
	v5 =	vor.u32 $0x1, v5  }
0x69: {  	[tilespmem:$0xA70] =	vst v5;
	v5 =	vshll.u32 v6, $0x1  }
0x6a: {  	v6 =	vld [tilespmem:$0x2B0];
	[tilespmem:$0x680] =	vst v5;
	v5 =	vor.u32 $0x1, v5  }
0x6b: {  	[tilespmem:$0xA80] =	vst v5;
	v5 =	vshll.u32 v7, $0x1  }
0x6c: {  	v7 =	vld [tilespmem:$0x2C0];
	[tilespmem:$0x690] =	vst v5;
	v5 =	vor.u32 $0x1, v5  }
0x6d: {  	[tilespmem:$0xA90] =	vst v5;
	v5 =	vshll.u32 v56, $0x1  }
0x6e: {  	v57 =	vld [tilespmem:$0x2D0];
	[tilespmem:$0x6A0] =	vst v5;
	v5 =	vor.u32 $0x1, v5  }
0x6f: {  	[tilespmem:$0xAA0] =	vst v5;
	v5 =	vshll.u32 v6, $0x1  }
0x70: {  	v6 =	vld [tilespmem:$0x2E0];
	[tilespmem:$0x6B0] =	vst v5;
	v5 =	vor.u32 $0x1, v5  }
0x71: {  	[tilespmem:$0xAB0] =	vst v5;
	v5 =	vshll.u32 v7, $0x1  }
0x72: {  	v7 =	vld [tilespmem:$0x2F0];
	[tilespmem:$0x6C0] =	vst v5;
	v5 =	vor.u32 $0x1, v5  }
0x73: {  	[tilespmem:$0xAC0] =	vst v5;
	v5 =	vshll.u32 v57, $0x1  }
0x74: {  	v58 =	vld [tilespmem:$0x300];
	[tilespmem:$0x6D0] =	vst v5;
	v5 =	vor.u32 $0x1, v5  }
0x75: {  	[tilespmem:$0xAD0] =	vst v5;
	v5 =	vshll.u32 v6, $0x1  }
0x76: {  	v6 =	vld [tilespmem:$0x310];
	[tilespmem:$0x6E0] =	vst v5;
	v5 =	vor.u32 $0x1, v5  }
0x77: {  	[tilespmem:$0xAE0] =	vst v5;
	v5 =	vshll.u32 v7, $0x1  }
0x78: {  	v7 =	vld [tilespmem:$0x320];
	[tilespmem:$0x6F0] =	vst v5;
	v5 =	vor.u32 $0x1, v5  }
0x79: {  	[tilespmem:$0xAF0] =	vst v5;
	v5 =	vshll.u32 v58, $0x1  }
0x7a: {  	v59 =	vld [tilespmem:$0x330];
	[tilespmem:$0x700] =	vst v5;
	v5 =	vor.u32 $0x1, v5  }
0x7b: {  	[tilespmem:$0xB00] =	vst v5;
	v5 =	vshll.u32 v6, $0x1  }
0x7c: {  	v6 =	vld [tilespmem:$0x340];
	[tilespmem:$0x710] =	vst v5;
	v5 =	vor.u32 $0x1, v5  }
0x7d: {  	[tilespmem:$0xB10] =	vst v5;
	v5 =	vshll.u32 v7, $0x1  }
0x7e: {  	v7 =	vld [tilespmem:$0x350];
	[tilespmem:$0x720] =	vst v5;
	v5 =	vor.u32 $0x1, v5  }
0x7f: {  	[tilespmem:$0xB20] =	vst v5;
	v5 =	vshll.u32 v59, $0x1  }
0x80: {  	v60 =	vld [tilespmem:$0x360];
	[tilespmem:$0x730] =	vst v5;
	v5 =	vor.u32 $0x1, v5  }
0x81: {  	[tilespmem:$0xB30] =	vst v5;
	v5 =	vshll.u32 v6, $0x1  }
0x82: {  	v6 =	vld [tilespmem:$0x370];
	[tilespmem:$0x740] =	vst v5;
	v5 =	vor.u32 $0x1, v5  }
0x83: {  	[tilespmem:$0xB40] =	vst v5;
	v5 =	vshll.u32 v7, $0x1  }
0x84: {  	v7 =	vld [tilespmem:$0x380];
	[tilespmem:$0x750] =	vst v5;
	v5 =	vor.u32 $0x1, v5  }
0x85: {  	[tilespmem:$0xB50] =	vst v5;
	v5 =	vshll.u32 v60, $0x1  }
0x86: {  	v61 =	vld [tilespmem:$0x390];
	[tilespmem:$0x760] =	vst v5;
	v5 =	vor.u32 $0x1, v5  }
0x87: {  	[tilespmem:$0xB60] =	vst v5;
	v5 =	vshll.u32 v6, $0x1  }
0x88: {  	v6 =	vld [tilespmem:$0x3A0];
	[tilespmem:$0x770] =	vst v5;
	v5 =	vor.u32 $0x1, v5  }
0x89: {  	[tilespmem:$0xB70] =	vst v5;
	v5 =	vshll.u32 v7, $0x1  }
0x8a: {  	v7 =	vld [tilespmem:$0x3B0];
	[tilespmem:$0x780] =	vst v5;
	v5 =	vor.u32 $0x1, v5  }
0x8b: {  	[tilespmem:$0xB80] =	vst v5;
	v5 =	vshll.u32 v61, $0x1  }
0x8c: {  	v62 =	vld [tilespmem:$0x3C0];
	[tilespmem:$0x790] =	vst v5;
	v5 =	vor.u32 $0x1, v5  }
0x8d: {  	[tilespmem:$0xB90] =	vst v5;
	v5 =	vshll.u32 v6, $0x1  }
0x8e: {  	v6 =	vld [tilespmem:$0x3D0];
	[tilespmem:$0x7A0] =	vst v5;
	v5 =	vor.u32 $0x1, v5  }
0x8f: {  	[tilespmem:$0xBA0] =	vst v5;
	v5 =	vshll.u32 v7, $0x1  }
0x90: {  	v7 =	vld [tilespmem:$0x3E0];
	[tilespmem:$0x7B0] =	vst v5;
	v5 =	vor.u32 $0x1, v5  }
0x91: {  	[tilespmem:$0xBB0] =	vst v5;
	v5 =	vshll.u32 v62, $0x1  }
0x92: {  	v63 =	vld [tilespmem:$0x3F0];
	[tilespmem:$0x7C0] =	vst v5;
	v5 =	vor.u32 $0x1, v5  }
0x93: {  	[tilespmem:$0xBC0] =	vst v5;
	v5 =	vshll.u32 v6, $0x1  }
0x94: {  	[tilespmem:$0x7D0] =	vst v5;
	v5 =	vor.u32 $0x1, v5  }
0x95: {  	[tilespmem:$0xBD0] =	vst v5;
	v5 =	vshll.u32 v7, $0x1  }
0x96: {  	[tilespmem:$0x7E0] =	vst v5;
	v5 =	vor.u32 $0x1, v5  }
0x97: {  	[tilespmem:$0xBE0] =	vst v5;
	v5 =	vshll.u32 v63, $0x1  }
0x98: {  	[tilespmem:$0x7F0] =	vst v5;
	v5 =	vor.u32 $0x1, v5  }
0x99: {  	s23 =	simm.s32 $0x400;
	s24 =	simm.s32 $0xC00;
	[tilespmem:$0xBF0] =	vst v5  }
0x9a: {  	[tilespmem:s24], [sflag:$0x1] =	stream.indirect.gather [hbm4b:s3+s9], $0x1, s23, s9, $0xb8;
	[tilespmem:$0x15400] =	vst v63  }
0x9b: {  	s25 =	simm.s32 $0x1000;
	s24 =	simm.s32 $0x800  }
0x9c: {  	[tilespmem:s25], [sflag:$0x1] =	stream.indirect.gather [hbm4b:s3+s9], $0x1, s24, s9, $0xb8;
	[tilespmem:$0x15400] =	vst v63  }
0x9d: {  	s24 =	simm.s32 $0x480;
	s25 =	simm.s32 $0xC80  }
0x9e: {  	[tilespmem:s25], [sflag:$0x1] =	stream.indirect.gather [hbm4b:s3+s9], $0x1, s24, s9, $0xb8;
	[tilespmem:$0x15400] =	vst v63  }
0x9f: {  	s24 =	simm.s32 $0x880;
	s25 =	simm.s32 $0x1080  }
0xa0: {  	[tilespmem:s25], [sflag:$0x1] =	stream.indirect.gather [hbm4b:s3+s9], $0x1, s24, s9, $0xb8;
	[tilespmem:$0x15400] =	vst v63  }
0xa1: {  	s24 =	simm.s32 $0x500;
	s25 =	simm.s32 $0xD00  }
0xa2: {  	[tilespmem:s25], [sflag:$0x1] =	stream.indirect.gather [hbm4b:s3+s9], $0x1, s24, s9, $0xb8;
	[tilespmem:$0x15400] =	vst v63  }
0xa3: {  	s24 =	simm.s32 $0x900;
	s25 =	simm.s32 $0x1100  }
0xa4: {  	[tilespmem:s25], [sflag:$0x1] =	stream.indirect.gather [hbm4b:s3+s9], $0x1, s24, s9, $0xb8;
	[tilespmem:$0x15400] =	vst v63  }
0xa5: {  	s24 =	simm.s32 $0x580;
	s25 =	simm.s32 $0xD80  }
0xa6: {  	[tilespmem:s25], [sflag:$0x1] =	stream.indirect.gather [hbm4b:s3+s9], $0x1, s24, s9, $0xb8;
	[tilespmem:$0x15400] =	vst v63  }
0xa7: {  	s24 =	simm.s32 $0x980;
	s25 =	simm.s32 $0x1180  }
0xa8: {  	[tilespmem:s25], [sflag:$0x1] =	stream.indirect.gather [hbm4b:s3+s9], $0x1, s24, s9, $0xb8;
	[tilespmem:$0x15400] =	vst v63  }
0xa9: {  	_ = 	snop  }
0xaa: {  	[tilespmem:s28], [sflag:$0x1] =	stream.indirect.gather [hbm4b:s3+s9], $0x1, s26, s9, $0xb8;
	[tilespmem:$0x15400] =	vst v63  }
0xab: {  	_ = 	snop  }
0xac: {  	[tilespmem:s30], [sflag:$0x1] =	stream.indirect.gather [hbm4b:s3+s9], $0x1, s29, s9, $0xb8;
	[tilespmem:$0x15400] =	vst v63  }
0xad: {  	_ = 	snop  }
0xae: {  	[tilespmem:s0], [sflag:$0x1] =	stream.indirect.gather [hbm4b:s3+s9], $0x1, s31, s9, $0xb8;
	[tilespmem:$0x15400] =	vst v63  }
0xaf: {  	_ = 	snop  }
0xb0: {  	[tilespmem:s10], [sflag:$0x1] =	stream.indirect.gather [hbm4b:s3+s9], $0x1, s1, s9, $0xb8;
	[tilespmem:$0x15400] =	vst v63  }
0xb1: {  	_ = 	snop  }
0xb2: {  	[tilespmem:s12], [sflag:$0x1] =	stream.indirect.gather [hbm4b:s3+s9], $0x1, s11, s9, $0xb8;
	[tilespmem:$0x15400] =	vst v63  }
0xb3: {  	_ = 	snop  }
0xb4: {  	[tilespmem:s14], [sflag:$0x1] =	stream.indirect.gather [hbm4b:s3+s9], $0x1, s13, s9, $0xb8;
	[tilespmem:$0x15400] =	vst v63  }
0xb5: {  	_ = 	snop  }
0xb6: {  	[tilespmem:s16], [sflag:$0x1] =	stream.indirect.gather [hbm4b:s3+s9], $0x1, s15, s9, $0xb8;
	[tilespmem:$0x15400] =	vst v63  }
0xb7: {  	s23 =	simm.s32 $0x0;
	s24 =	simm.s32 $0x200  }
0xb8: {  	[tilespmem:s18], [sflag:$0x1] =	stream.indirect.gather [hbm4b:s3+s9], $0x1, s17, s9, $0xb8;
	[tilespmem:$0x15400] =	vst v63  }
.LBB2_2:
0xb9: {  	p0 =	sne.s32 s24, $0x3FE00;
	[tilespmem:s23+$0x1470] =	vst v0  }
0xba: {  	[tilespmem:s23+$0x1400] =	vst v0  }
0xbb: {  	[tilespmem:s23+$0x1410] =	vst v0  }
.Ltmp0:
0xbc: {  	[tilespmem:s23+$0x1420] =	vst v0;
	(pc) =	sbr.rel @p0 .LBB2_2-.Ltmp0, $4  }
0xbd: {  	[tilespmem:s23+$0x1430] =	vst v0  }
0xbe: {  	[tilespmem:s23+$0x1440] =	vst v0  }
0xbf: {  	[tilespmem:s23+$0x1450] =	vst v0  }
0xc0: {  	[tilespmem:s23+$0x1460] =	vst v0;
	s23 =	sshra.s32 s24, $0x2;
	s24 =	sadd.s32 $0x200, s24  }
0xc1: {  	[tilespmem:s23+$0x1470] =	vst v0  }
0xc2: {  	[tilespmem:s23+$0x1400] =	vst v0  }
0xc3: {  	[tilespmem:s23+$0x1410] =	vst v0  }
0xc4: {  	[tilespmem:s23+$0x1420] =	vst v0  }
0xc5: {  	[tilespmem:s23+$0x1430] =	vst v0  }
0xc6: {  	[tilespmem:s23+$0x1440] =	vst v0  }
0xc7: {  	[tilespmem:s23+$0x1450] =	vst v0  }
0xc8: {  	[tilespmem:s23+$0x1460] =	vst v0;
	s23 =	simm.s32 $0x0;
	s24 =	simm.s32 $0x200  }
.LBB2_4:
0xc9: {  	p0 =	sne.s32 s24, $0xFE00;
	[tilespmem:s23+$0x11470] =	vst v1  }
0xca: {  	[tilespmem:s23+$0x11400] =	vst v1  }
0xcb: {  	[tilespmem:s23+$0x11410] =	vst v1  }
.Ltmp1:
0xcc: {  	[tilespmem:s23+$0x11420] =	vst v1;
	(pc) =	sbr.rel @p0 .LBB2_4-.Ltmp1, $4  }
0xcd: {  	[tilespmem:s23+$0x11430] =	vst v1  }
0xce: {  	[tilespmem:s23+$0x11440] =	vst v1  }
0xcf: {  	[tilespmem:s23+$0x11450] =	vst v1  }
0xd0: {  	[tilespmem:s23+$0x11460] =	vst v1;
	s23 =	sshra.s32 s24, $0x2;
	s24 =	sadd.s32 $0x200, s24  }
0xd1: {  	[tilespmem:s23+$0x11470] =	vst v1  }
0xd2: {  	[tilespmem:s23+$0x11400] =	vst v1  }
0xd3: {  	[tilespmem:s23+$0x11410] =	vst v1  }
0xd4: {  	[tilespmem:s23+$0x11420] =	vst v1  }
0xd5: {  	[tilespmem:s23+$0x11430] =	vst v1  }
0xd6: {  	[tilespmem:s23+$0x11440] =	vst v1  }
0xd7: {  	[tilespmem:s23+$0x11450] =	vst v1  }
0xd8: {  	[tilespmem:s23+$0x11460] =	vst v1  }
0xd9: {  	_ =	swait.ge [sflag:s19], $0x80  }
0xda: {  	[sflag:s19] =	ssyncset.done $0x0  }
0xdb: {  	[sflag:s19] =	ssyncadd.s32 $0xFFFFFF80  }
0xdc: {  	_ =	swait.ge [sflag:s19], $0x80  }
0xdd: {  	[sflag:s19] =	ssyncset.done $0x0  }
0xde: {  	[sflag:s19] =	ssyncadd.s32 $0xFFFFFF80  }
0xdf: {  	_ =	swait.ge [sflag:s19], $0x80  }
0xe0: {  	[sflag:s19] =	ssyncset.done $0x0  }
0xe1: {  	[sflag:s19] =	ssyncadd.s32 $0xFFFFFF80  }
0xe2: {  	_ =	swait.ge [sflag:s19], $0x80  }
0xe3: {  	[sflag:s19] =	ssyncset.done $0x0  }
0xe4: {  	[sflag:s19] =	ssyncadd.s32 $0xFFFFFF80  }
0xe5: {  	_ =	swait.ge [sflag:s19], $0x80  }
0xe6: {  	[sflag:s19] =	ssyncset.done $0x0  }
0xe7: {  	[sflag:s19] =	ssyncadd.s32 $0xFFFFFF80  }
0xe8: {  	_ =	swait.ge [sflag:s19], $0x80  }
0xe9: {  	[sflag:s19] =	ssyncset.done $0x0  }
0xea: {  	[sflag:s19] =	ssyncadd.s32 $0xFFFFFF80  }
0xeb: {  	_ =	swait.ge [sflag:s19], $0x80  }
0xec: {  	[sflag:s19] =	ssyncset.done $0x0  }
0xed: {  	[sflag:s19] =	ssyncadd.s32 $0xFFFFFF80  }
0xee: {  	_ =	swait.ge [sflag:s19], $0x80  }
0xef: {  	[sflag:s19] =	ssyncset.done $0x0  }
0xf0: {  	[sflag:s19] =	ssyncadd.s32 $0xFFFFFF80  }
0xf1: {  	_ =	swait.ge [sflag:s19], $0x80  }
0xf2: {  	[sflag:s19] =	ssyncset.done $0x0  }
0xf3: {  	[sflag:s19] =	ssyncadd.s32 $0xFFFFFF80  }
0xf4: {  	_ =	swait.ge [sflag:s19], $0x80  }
0xf5: {  	[sflag:s19] =	ssyncset.done $0x0  }
0xf6: {  	[sflag:s19] =	ssyncadd.s32 $0xFFFFFF80  }
0xf7: {  	_ =	swait.ge [sflag:s19], $0x80  }
0xf8: {  	[sflag:s19] =	ssyncset.done $0x0  }
0xf9: {  	[sflag:s19] =	ssyncadd.s32 $0xFFFFFF80  }
0xfa: {  	_ =	swait.ge [sflag:s19], $0x80  }
0xfb: {  	[sflag:s19] =	ssyncset.done $0x0  }
0xfc: {  	[sflag:s19] =	ssyncadd.s32 $0xFFFFFF80  }
0xfd: {  	_ =	swait.ge [sflag:s19], $0x80  }
0xfe: {  	[sflag:s19] =	ssyncset.done $0x0  }
0xff: {  	[sflag:s19] =	ssyncadd.s32 $0xFFFFFF80  }
0x100: {  	_ =	swait.ge [sflag:s19], $0x80  }
0x101: {  	[sflag:s19] =	ssyncset.done $0x0  }
0x102: {  	[sflag:s19] =	ssyncadd.s32 $0xFFFFFF80  }
0x103: {  	_ =	swait.ge [sflag:s19], $0x80  }
0x104: {  	[sflag:s19] =	ssyncset.done $0x0  }
0x105: {  	[sflag:s19] =	ssyncadd.s32 $0xFFFFFF80  }
0x106: {  	_ =	swait.ge [sflag:s19], $0x80  }
0x107: {  	s23 =	simm.s32 $0x0;
	[sflag:s19] =	ssyncset.done $0x0  }
0x108: {  	s24 =	simm.s32 $0xC00;
	s25 =	simm.s32 $0x1000;
	[sflag:s19] =	ssyncadd.s32 $0xFFFFFF80  }
.LBB2_6:
0x109: {  	v5 =	vld [tilespmem:s24+$0x0];
	_ =	sdelay $0x2  }
0x10a: {  	v6 =	vor.u32 s23, v2  }
0x10b: {  	v7 =	vshll.u32 v6, $0x6  }
0x10c: {  	v6 =	vshll.u32 v6, $0x4;
	v8 =	vadd.s32 v7, v5;
	v9 =	vshrl.u32 v5, $0x2  }
0x10d: {  	v9 =	vadd.s32 v6, v9;
	_ =	sdelay $0x1  }
0x10e: {  	v5 =	vshll.u32 v5, $0x3  }
0x10f: {  	v5 =	vand.u32 $0x18, v5  }
0x110: {  	v5 =	vshll.u32 v4, v5;
	[tilespmem:v8+s20+$0x0] =	vst.idx.msk $0xffff, v3  }
0x111: {  	[tilespmem:v9+s21+$0x0] =	vst.idx.add.s32.msk $0xffff, v5  }
0x112: {  	v5 =	vld [tilespmem:s25+$0x0];
	_ =	sdelay $0x4  }
0x113: {  	v7 =	vadd.s32 v7, v5;
	v63 =	vshrl.u32 v5, $0x2  }
0x114: {  	p0 =	sne.s32 s23, $0x3F0;
	v6 =	vadd.s32 v6, v63  }
.Ltmp2:
0x115: {  	_ = 	snop;
	(pc) =	sbr.rel @p0 .LBB2_6-.Ltmp2, $4  }
0x116: {  	v5 =	vshll.u32 v5, $0x3  }
0x117: {  	v5 =	vand.u32 $0x18, v5  }
0x118: {  	v5 =	vshll.u32 v4, v5;
	[tilespmem:v7+s20+$0x0] =	vst.idx.msk $0xffff, v3  }
0x119: {  	s24 =	sadd.s32 $0x10, s24;
	s23 =	sadd.s32 $0x10, s23;
	s25 =	sadd.s32 $0x10, s25;
	[tilespmem:v6+s21+$0x0] =	vst.idx.add.s32.msk $0xffff, v5  }
0x11a: {  	[hbm4b:s5+s2] =	stream.linear.scatter [tilespmem:s20], [sflag:$0x2], $0x10000, $0x38;
	[tilespmem:$0x15400] =	vst v63  }
0x11b: {  	s22 =	sadd.s32 $0x1, s22;
	_ =	swait.ge [sflag:s8], $0x10000  }
0x11c: {  	p0 =	sne.s32 s22, s7;
	[sflag:s8] =	ssyncset.done $0x0  }
.Ltmp3:
0x11d: {  	[sflag:s8] =	ssyncadd.s32 $0xFFFF0000;
	(pc) =	sbr.rel @p0 .LBB2_1-.Ltmp3, $4  }
0x11e: {  	[hbm4b:s6+s2] =	stream.linear.scatter [tilespmem:s21], [sflag:$0x2], $0x4000, $0x38;
	[tilespmem:$0x15400] =	vst v63  }
0x11f: {  	_ =	swait.ge [sflag:s8], $0x4000  }
0x120: {  	[sflag:s8] =	ssyncset.done $0x0  }
0x121: {  	[sflag:s8] =	ssyncadd.s32 $0xFFFFC000  }
0x122: {  	_ =	sfence.sel $0x180000  }
0x123: {  	[bflag:$0x0] =	sbarrier.arrive $0xFFFF  }
0x124: {  	_ =	strace $0x90000047  }
0x125: {  	s0 =	stileid.u32;
	[bflag:$0x2] =	sbarrier.arrive $0xFFFF  }
0x126: {  	p0 =	sne.s32 s0, $0x0;
	s0 =	rddreg [dreg:$0x3]  }
0x127: {  	s0 =	sadd.s32 @!p0 $0x100000, s0  }
0x128: {  	[sflag:s0] =	ssyncadd.tile.s32 @!p0 $0x1;
	_ =	shalt  }
.Lfunc_end2:
_tile_overlayer_lowered:
.L_overlay_start_2:
0x129: {  	(tag) =	ssettag $0x2  }
0x12a: {  	s0 =	rddreg [dreg:$0x0];
	s2 =	stileid.u32  }
0x12b: {  	s1 =	rddreg [dreg:$0x1];
	p0 =	sne.s32 s2, $0x0  }
0x12c: {  	s3 =	rddreg [dreg:$0x2];
	[bflag:$0x3] =	sbarrier.arrive $0xFFFF;
	s2 =	simm.s32 @!p0 $0x1C02  }
0x12d: {  	[timem:s3], [sflag:s2] =	dma.local @!p0 [hbm:s0], s1  }
0x12e: {  	s0 =	simm.s32 @!p0 $0x2  }
0x12f: {  	_ =	swait.ge @!p0 [sflag:s0], s1  }
0x130: {  	s1 =	ssub.s32 @!p0 $0x0, s1;
	[sflag:s0] =	ssyncset.done @!p0 $0x0  }
0x131: {  	[sflag:s0] =	ssyncadd.s32 @!p0 s1  }
0x132: {  	[bflag:$0x3] =	sbarrier.arrive $0xFFFF  }
0x133: {  	_ =	shalt  }

</sc_bundles>
